<compile_context>
chip_gen: v7x
topology: tpu7x:2x2x1
jax: 0.10.2.dev20260603
libtpu: 0.0.44.dev20260713+nightly
codegen_flags: <defaults>
</compile_context>

<pallas_src>
import functools

import jax
import jax.numpy as jnp
from jax import lax
from jax.experimental import pallas as pl
from jax.experimental.pallas import tpu as pltpu
from jax.experimental.pallas import tpu_sc as plsc

_NC = 2
_NS = 16
_NW = _NC * _NS
_L = 16
_LANES = 128
_SUB = 8


def _sc_hilbert_gather(B, C, H, W, S):
    NR = C * H * W * B // _LANES
    n_btiles = B // _LANES
    n_schunks = S // _LANES
    n_items = C * n_btiles * n_schunks
    per_w = n_items // _NW
    mesh = plsc.VectorSubcoreMesh(core_axis_name="c", subcore_axis_name="s")

    @functools.partial(
        pl.kernel,
        out_type=jax.ShapeDtypeStruct((C, B, S), jnp.float32),
        mesh=mesh,
        scratch_types=[
            pltpu.VMEM((S,), jnp.int32),
            pltpu.VMEM((_LANES,), jnp.int32),
            pltpu.VMEM((_LANES,), jnp.int32),
            pltpu.VMEM((_LANES,), jnp.int32),
            pltpu.VMEM((_LANES, _LANES), jnp.float32),
            pltpu.VMEM((_LANES, _LANES), jnp.float32),
            pltpu.VMEM((_LANES, _LANES), jnp.float32),
            pltpu.VMEM((_LANES, _LANES), jnp.float32),
            pltpu.VMEM((_LANES, _LANES), jnp.float32),
            pltpu.VMEM((_LANES, _LANES), jnp.float32),
            pltpu.SemaphoreType.DMA,
            pltpu.SemaphoreType.DMA,
            pltpu.SemaphoreType.DMA,
            pltpu.SemaphoreType.DMA,
            pltpu.SemaphoreType.DMA,
            pltpu.SemaphoreType.DMA,
        ],
        compiler_params=pltpu.CompilerParams(needs_layout_passes=False),
    )
    def k(xr_hbm, idx_hbm, out_hbm, r0_v, ridx0, ridx1, ridx2,
          st0, st1, st2, ot0, ot1, ot2,
          gsem0, gsem1, gsem2, osem0, osem1, osem2):
        ridxs = (ridx0, ridx1, ridx2)
        stages = (st0, st1, st2)
        outs = (ot0, ot1, ot2)
        gsems = (gsem0, gsem1, gsem2)
        osems = (osem0, osem1, osem2)
        wid = lax.axis_index("s") * _NC + lax.axis_index("c")
        base_item = wid * per_w

        pltpu.sync_copy(idx_hbm, r0_v)

        iota = lax.iota(jnp.int32, _L)

        @plsc.parallel_loop(0, S // _L, unroll=4)
        def _(q):
            p_v = r0_v[pl.ds(q * _L, _L)]
            h_v = p_v // W
            w_v = p_v - h_v * W
            wt_v = w_v // _SUB
            wr_v = w_v - wt_v * _SUB
            r0_v[pl.ds(q * _L, _L)] = (
                h_v * (W * B // _LANES * _SUB)
                + wt_v * (n_btiles * _SUB)
                + wr_v)

        def item_coords(i):
            c = i // (n_btiles * n_schunks)
            rem = i - c * (n_btiles * n_schunks)
            bt = rem // n_schunks
            sc = rem - bt * n_schunks
            return c, bt, sc

        def fill_ridx(i, slot):
            c, bt, sc = item_coords(i)
            off = c * (H * W * B // _LANES) + bt * _SUB
            s0 = sc * _LANES

            @plsc.parallel_loop(0, _LANES // _L, unroll=4)
            def _(q):
                ridxs[slot][pl.ds(q * _L, _L)] = (
                    r0_v[pl.ds(s0 + q * _L, _L)] + off)

        def start_gather(slot):
            pltpu.async_copy(xr_hbm.at[ridxs[slot]], stages[slot], gsems[slot])

        def start_out(i, slot):
            c, bt, sc = item_coords(i)
            pltpu.async_copy(
                outs[slot],
                out_hbm.at[c, pl.ds(bt * _LANES, _LANES),
                           pl.ds(sc * _LANES, _LANES)],
                osems[slot])

        def wait_gather(slot):
            pltpu.make_async_copy(
                xr_hbm.at[ridxs[slot]], stages[slot], gsems[slot]).wait()

        def wait_out(slot):
            pltpu.make_async_copy(
                outs[slot], out_hbm.at[0, pl.ds(0, _LANES), pl.ds(0, _LANES)],
                osems[slot]).wait()

        n_blk = _LANES // _L

        def transpose(slot):
            st = stages[slot]
            ot = outs[slot]

            @plsc.parallel_loop(0, n_blk * n_blk * _L, unroll=8)
            def _(q):
                blk = q // _L
                d = q - blk * _L
                sb = blk // n_blk
                bb = blk - sb * n_blk
                sv0 = sb * _L
                b0 = bb * _L
                rot = (iota + d) & (_L - 1)
                vals = plsc.load_gather(st, [sv0 + iota, b0 + rot])
                plsc.store_scatter(ot, [b0 + rot, sv0 + iota], vals)

        fill_ridx(base_item, 0)
        start_gather(0)
        fill_ridx(base_item + 1, 1)
        start_gather(1)

        def body(t, carry):
            for sl in range(3):
                i = base_item + t * 3 + sl
                nsl = (sl + 2) % 3
                @pl.when(t * 3 + sl + 2 < per_w)
                def _():
                    fill_ridx(i + 2, nsl)
                    start_gather(nsl)
                wait_gather(sl)
                @pl.when(t * 3 + sl >= 3)
                def _():
                    wait_out(sl)
                transpose(sl)
                start_out(i, sl)
            return carry
        lax.fori_loop(0, per_w // 3, body, 0)

        for sl in range(3):
            wait_out(sl)

    return k


def kernel(x, indices):
    B, C, H, W = x.shape
    S = indices.shape[0]
    NR = C * H * W * B // _LANES
    xr = (x.reshape(B // _LANES, _LANES, C, H, W // _SUB, _SUB)
          .transpose(2, 3, 4, 0, 5, 1)
          .reshape(NR, _LANES))
    idx = indices.astype(jnp.int32)
    yt = _sc_hilbert_gather(B, C, H, W, S)(xr, idx)
    return jnp.transpose(yt, (1, 2, 0))

# --- scband reference (transcript-rebuilt; emitter-appended) ---
"""Pipeline reference for scband-hilbert-scan-29480655519987 (READ-ONLY COPY).

The authoritative reference and input builder live on the scoring server;
editing this copy changes nothing except your own understanding.
"""

import jax, jax.numpy as jnp
import numpy as np


def _d2xy(n, d):
    """Convert Hilbert curve distance d to (x, y) on an n x n grid."""
    rx = ry = 0
    x = y = 0
    t = d
    s = 1
    while s < n:
        rx = 1 & (t // 2)
        ry = 1 & (t ^ rx)
        # rotate quadrant
        if ry == 0:
            if rx == 1:
                x = s - 1 - x
                y = s - 1 - y
            x, y = y, x
        x += s * rx
        y += s * ry
        t //= 4
        s *= 2
    return x, y


def get_hilbert_indices(n):
    idx = []
    for d in range(n * n):
        x, y = _d2xy(n, d)
        if x < 64 and y < 64:
            idx.append(y * 64 + x)
    return jnp.asarray(np.array(idx, dtype=np.int64))


def setup_inputs(seed: int = 0) -> dict:
    key = jax.random.key(seed)
    x = jax.random.normal(key, (2048, 3, 64, 64), dtype=jnp.float32)
    indices = get_hilbert_indices(64)
    return {"x": x, "indices": indices}


def reference(x, indices):
    B, C, H, W = x.shape
    xf = x.reshape(B, C, H * W)
    # gather pixels along flattened spatial dim in Hilbert order
    xg = jnp.take(xf, indices, axis=2)
    out = jnp.transpose(xg, (0, 2, 1))  # (B, seq_len, C)
    return out

if __name__ == "__main__":
    import jax
    _d = setup_inputs()
    print(jax.jit(kernel)(*tuple(_d.values())))

</pallas_src>

<mosaic_0001>
#map = affine_map<(d0, d1) -> (0, 0)>
#map1 = affine_map<(d0, d1) -> (0)>
#map2 = affine_map<(d0, d1) -> (0, 0, 0)>
module attributes {stable_mosaic.version = 14 : i64} {
  func.func @k(%arg0: i32, %arg1: i32, %arg2: memref<196608x128xf32, #tpu.memory_space<hbm>>, %arg3: memref<4096xi32, #tpu.memory_space<hbm>>, %arg4: memref<3x2048x4096xf32, #tpu.memory_space<hbm>>, %arg5: memref<4096xi32, #tpu.memory_space<vmem>>, %arg6: memref<128xi32, #tpu.memory_space<vmem>>, %arg7: memref<128xi32, #tpu.memory_space<vmem>>, %arg8: memref<128xi32, #tpu.memory_space<vmem>>, %arg9: memref<128x128xf32, #tpu.memory_space<vmem>>, %arg10: memref<128x128xf32, #tpu.memory_space<vmem>>, %arg11: memref<128x128xf32, #tpu.memory_space<vmem>>, %arg12: memref<128x128xf32, #tpu.memory_space<vmem>>, %arg13: memref<128x128xf32, #tpu.memory_space<vmem>>, %arg14: memref<128x128xf32, #tpu.memory_space<vmem>>, %arg15: memref<!tpu.dma_semaphore, #tpu.memory_space<semaphore_mem>>, %arg16: memref<!tpu.dma_semaphore, #tpu.memory_space<semaphore_mem>>, %arg17: memref<!tpu.dma_semaphore, #tpu.memory_space<semaphore_mem>>, %arg18: memref<!tpu.dma_semaphore, #tpu.memory_space<semaphore_mem>>, %arg19: memref<!tpu.dma_semaphore, #tpu.memory_space<semaphore_mem>>, %arg20: memref<!tpu.dma_semaphore, #tpu.memory_space<semaphore_mem>>) attributes {dimension_semantics = [#tpu.dimension_semantics<core_parallel>, #tpu.dimension_semantics<subcore_parallel>], iteration_bounds = array<i64: 2, 16>, scalar_prefetch = 0 : i64, scratch_operands = 16 : i64, tpu.core_type = #tpu.core_type<sc_vector_subcore>, window_params = [{transform_indices = #map}, {transform_indices = #map1}, {transform_indices = #map2}]} {
    %mul3A = arith.constant 2 : i32
    %mul3A_0 = arith.muli %arg1, %mul3A : i32
    %add3A = arith.addi %mul3A_0, %arg0 : i32
    %mul3A_1 = arith.constant 48 : i32
    %mul3A_2 = arith.muli %add3A, %mul3A_1 : i32
    "tpu.region"() ({
      %run_scoped3A = tpu.sem_alloc : memref<!tpu.dma_semaphore, #tpu.memory_space<semaphore_mem>>
      tpu.enqueue_dma source(%arg3 : memref<4096xi32, #tpu.memory_space<hbm>>) target(%arg5 : memref<4096xi32, #tpu.memory_space<vmem>>) target_semaphore(%run_scoped3A : memref<!tpu.dma_semaphore, #tpu.memory_space<semaphore_mem>>)
      tpu.wait_dma2 semaphore(%run_scoped3A : memref<!tpu.dma_semaphore, #tpu.memory_space<semaphore_mem>>) src(%arg3 : memref<4096xi32, #tpu.memory_space<hbm>>) dst(%arg5 : memref<4096xi32, #tpu.memory_space<vmem>>)
      tpu.yield
    }) : () -> ()
    %iota3A = tpu.iota {dimensions = array<i32: 0>} : vector<16xi32>
    %parallel_loop3A = arith.constant 0 : i32
    %parallel_loop3A_3 = arith.constant 256 : i32
    %parallel_loop3A_4 = arith.constant 1 : i32
    scf.for %parallel_loop3A_163 = %parallel_loop3A to %parallel_loop3A_3 step %parallel_loop3A_4  : i32 {
      %parallel_loop3A_164 = arith.constant 16 : i32
      %parallel_loop3A_165 = arith.muli %parallel_loop3A_163, %parallel_loop3A_164 : i32
      %parallel_loop3A_166 = arith.index_cast %parallel_loop3A_165 : i32 to index
      %parallel_loop3A_167 = tpu.vector_load %arg5[%parallel_loop3A_166] {strides = array<i32>} : memref<4096xi32, #tpu.memory_space<vmem>>, vector<16xi32>,
      %parallel_loop3A_168 = arith.constant 64 : i32
      %parallel_loop3A_169 = vector.broadcast %parallel_loop3A_168 : i32 to vector<16xi32>
      %parallel_loop3A_170 = arith.divsi %parallel_loop3A_167, %parallel_loop3A_169 : vector<16xi32>
      %parallel_loop3A_171 = arith.constant 0 : i32
      %parallel_loop3A_172 = vector.broadcast %parallel_loop3A_171 : i32 to vector<16xi32>
      %parallel_loop3A_173 = arith.cmpi sgt, %parallel_loop3A_167, %parallel_loop3A_172 : vector<16xi32>
      %parallel_loop3A_174 = arith.extui %parallel_loop3A_173 : vector<16xi1> to vector<16xi32>
      %parallel_loop3A_175 = arith.constant 0 : i32
      %parallel_loop3A_176 = vector.broadcast %parallel_loop3A_175 : i32 to vector<16xi32>
      %parallel_loop3A_177 = arith.cmpi slt, %parallel_loop3A_167, %parallel_loop3A_176 : vector<16xi32>
      %parallel_loop3A_178 = arith.extui %parallel_loop3A_177 : vector<16xi1> to vector<16xi32>
      %parallel_loop3A_179 = arith.subi %parallel_loop3A_174, %parallel_loop3A_178 : vector<16xi32>
      %parallel_loop3A_180 = arith.constant 0 : i32
      %parallel_loop3A_181 = arith.cmpi sgt, %parallel_loop3A_168, %parallel_loop3A_180 : i32
      %parallel_loop3A_182 = arith.extui %parallel_loop3A_181 : i1 to i32
      %parallel_loop3A_183 = arith.constant 0 : i32
      %parallel_loop3A_184 = arith.cmpi slt, %parallel_loop3A_168, %parallel_loop3A_183 : i32
      %parallel_loop3A_185 = arith.extui %parallel_loop3A_184 : i1 to i32
      %parallel_loop3A_186 = arith.subi %parallel_loop3A_182, %parallel_loop3A_185 : i32
      %parallel_loop3A_187 = vector.broadcast %parallel_loop3A_186 : i32 to vector<16xi32>
      %parallel_loop3A_188 = arith.cmpi ne, %parallel_loop3A_179, %parallel_loop3A_187 : vector<16xi32>
      %parallel_loop3A_189 = vector.broadcast %parallel_loop3A_168 : i32 to vector<16xi32>
      %parallel_loop3A_190 = arith.remsi %parallel_loop3A_167, %parallel_loop3A_189 : vector<16xi32>
      %parallel_loop3A_191 = arith.constant 0 : i32
      %parallel_loop3A_192 = vector.broadcast %parallel_loop3A_191 : i32 to vector<16xi32>
      %parallel_loop3A_193 = arith.cmpi ne, %parallel_loop3A_190, %parallel_loop3A_192 : vector<16xi32>
      %parallel_loop3A_194 = arith.andi %parallel_loop3A_188, %parallel_loop3A_193 : vector<16xi1>
      %parallel_loop3A_195 = arith.constant 1 : i32
      %parallel_loop3A_196 = vector.broadcast %parallel_loop3A_195 : i32 to vector<16xi32>
      %parallel_loop3A_197 = arith.subi %parallel_loop3A_170, %parallel_loop3A_196 : vector<16xi32>
      %parallel_loop3A_198 = arith.select %parallel_loop3A_194, %parallel_loop3A_197, %parallel_loop3A_170 : vector<16xi1>, vector<16xi32>
      %parallel_loop3A_199 = arith.constant 64 : i32
      %parallel_loop3A_200 = vector.broadcast %parallel_loop3A_199 : i32 to vector<16xi32>
      %parallel_loop3A_201 = arith.muli %parallel_loop3A_198, %parallel_loop3A_200 : vector<16xi32>
      %parallel_loop3A_202 = arith.subi %parallel_loop3A_167, %parallel_loop3A_201 : vector<16xi32>
      %parallel_loop3A_203 = arith.constant 8 : i32
      %parallel_loop3A_204 = vector.broadcast %parallel_loop3A_203 : i32 to vector<16xi32>
      %parallel_loop3A_205 = arith.divsi %parallel_loop3A_202, %parallel_loop3A_204 : vector<16xi32>
      %parallel_loop3A_206 = arith.constant 0 : i32
      %parallel_loop3A_207 = vector.broadcast %parallel_loop3A_206 : i32 to vector<16xi32>
      %parallel_loop3A_208 = arith.cmpi sgt, %parallel_loop3A_202, %parallel_loop3A_207 : vector<16xi32>
      %parallel_loop3A_209 = arith.extui %parallel_loop3A_208 : vector<16xi1> to vector<16xi32>
      %parallel_loop3A_210 = arith.constant 0 : i32
      %parallel_loop3A_211 = vector.broadcast %parallel_loop3A_210 : i32 to vector<16xi32>
      %parallel_loop3A_212 = arith.cmpi slt, %parallel_loop3A_202, %parallel_loop3A_211 : vector<16xi32>
      %parallel_loop3A_213 = arith.extui %parallel_loop3A_212 : vector<16xi1> to vector<16xi32>
      %parallel_loop3A_214 = arith.subi %parallel_loop3A_209, %parallel_loop3A_213 : vector<16xi32>
      %parallel_loop3A_215 = arith.constant 0 : i32
      %parallel_loop3A_216 = arith.cmpi sgt, %parallel_loop3A_203, %parallel_loop3A_215 : i32
      %parallel_loop3A_217 = arith.extui %parallel_loop3A_216 : i1 to i32
      %parallel_loop3A_218 = arith.constant 0 : i32
      %parallel_loop3A_219 = arith.cmpi slt, %parallel_loop3A_203, %parallel_loop3A_218 : i32
      %parallel_loop3A_220 = arith.extui %parallel_loop3A_219 : i1 to i32
      %parallel_loop3A_221 = arith.subi %parallel_loop3A_217, %parallel_loop3A_220 : i32
      %parallel_loop3A_222 = vector.broadcast %parallel_loop3A_221 : i32 to vector<16xi32>
      %parallel_loop3A_223 = arith.cmpi ne, %parallel_loop3A_214, %parallel_loop3A_222 : vector<16xi32>
      %parallel_loop3A_224 = vector.broadcast %parallel_loop3A_203 : i32 to vector<16xi32>
      %parallel_loop3A_225 = arith.remsi %parallel_loop3A_202, %parallel_loop3A_224 : vector<16xi32>
      %parallel_loop3A_226 = arith.constant 0 : i32
      %parallel_loop3A_227 = vector.broadcast %parallel_loop3A_226 : i32 to vector<16xi32>
      %parallel_loop3A_228 = arith.cmpi ne, %parallel_loop3A_225, %parallel_loop3A_227 : vector<16xi32>
      %parallel_loop3A_229 = arith.andi %parallel_loop3A_223, %parallel_loop3A_228 : vector<16xi1>
      %parallel_loop3A_230 = arith.constant 1 : i32
      %parallel_loop3A_231 = vector.broadcast %parallel_loop3A_230 : i32 to vector<16xi32>
      %parallel_loop3A_232 = arith.subi %parallel_loop3A_205, %parallel_loop3A_231 : vector<16xi32>
      %parallel_loop3A_233 = arith.select %parallel_loop3A_229, %parallel_loop3A_232, %parallel_loop3A_205 : vector<16xi1>, vector<16xi32>
      %parallel_loop3A_234 = arith.constant 8 : i32
      %parallel_loop3A_235 = vector.broadcast %parallel_loop3A_234 : i32 to vector<16xi32>
      %parallel_loop3A_236 = arith.muli %parallel_loop3A_233, %parallel_loop3A_235 : vector<16xi32>
      %parallel_loop3A_237 = arith.subi %parallel_loop3A_202, %parallel_loop3A_236 : vector<16xi32>
      %parallel_loop3A_238 = arith.constant 8192 : i32
      %parallel_loop3A_239 = vector.broadcast %parallel_loop3A_238 : i32 to vector<16xi32>
      %parallel_loop3A_240 = arith.muli %parallel_loop3A_198, %parallel_loop3A_239 : vector<16xi32>
      %parallel_loop3A_241 = arith.constant 128 : i32
      %parallel_loop3A_242 = vector.broadcast %parallel_loop3A_241 : i32 to vector<16xi32>
      %parallel_loop3A_243 = arith.muli %parallel_loop3A_233, %parallel_loop3A_242 : vector<16xi32>
      %parallel_loop3A_244 = arith.addi %parallel_loop3A_240, %parallel_loop3A_243 : vector<16xi32>
      %parallel_loop3A_245 = arith.addi %parallel_loop3A_244, %parallel_loop3A_237 : vector<16xi32>
      %parallel_loop3A_246 = arith.constant 16 : i32
      %parallel_loop3A_247 = arith.muli %parallel_loop3A_163, %parallel_loop3A_246 : i32
      %parallel_loop3A_248 = arith.index_cast %parallel_loop3A_247 : i32 to index
      %parallel_loop3A_249 = tpu.vector_load %arg5[%parallel_loop3A_248] {strides = array<i32>} : memref<4096xi32, #tpu.memory_space<vmem>>, vector<16xi32>,
      tpu.vector_store %arg5[%parallel_loop3A_248], %parallel_loop3A_245 {strides = array<i32>} : memref<4096xi32, #tpu.memory_space<vmem>>, vector<16xi32>,
    } {sc.loop_unroll_factor = 4 : i64, sc.parallel_access}
    %jit3A = arith.constant 512 : i32
    %div3A = arith.divsi %mul3A_2, %jit3A : i32
    %sign3A = arith.constant 0 : i32
    %sign3A_5 = arith.cmpi sgt, %mul3A_2, %sign3A : i32
    %sign3A_6 = arith.extui %sign3A_5 : i1 to i32
    %sign3A_7 = arith.constant 0 : i32
    %sign3A_8 = arith.cmpi slt, %mul3A_2, %sign3A_7 : i32
    %sign3A_9 = arith.extui %sign3A_8 : i1 to i32
    %sign3A_10 = arith.subi %sign3A_6, %sign3A_9 : i32
    %sign3A_11 = arith.constant 0 : i32
    %sign3A_12 = arith.cmpi sgt, %jit3A, %sign3A_11 : i32
    %sign3A_13 = arith.extui %sign3A_12 : i1 to i32
    %sign3A_14 = arith.constant 0 : i32
    %sign3A_15 = arith.cmpi slt, %jit3A, %sign3A_14 : i32
    %sign3A_16 = arith.extui %sign3A_15 : i1 to i32
    %sign3A_17 = arith.subi %sign3A_13, %sign3A_16 : i32
    %ne3A = arith.cmpi ne, %sign3A_10, %sign3A_17 : i32
    %rem3A = arith.remsi %mul3A_2, %jit3A : i32
    %ne3A_18 = arith.constant 0 : i32
    %ne3A_19 = arith.cmpi ne, %rem3A, %ne3A_18 : i32
    %and3A = arith.andi %ne3A, %ne3A_19 : i1
    %sub3A = arith.constant 1 : i32
    %sub3A_20 = arith.subi %div3A, %sub3A : i32
    %select_n3A = arith.select %and3A, %sub3A_20, %div3A : i32
    %mul3A_21 = arith.constant 512 : i32
    %mul3A_22 = arith.muli %select_n3A, %mul3A_21 : i32
    %sub3A_23 = arith.subi %mul3A_2, %mul3A_22 : i32
    %jit3A_24 = arith.constant 32 : i32
    %div3A_25 = arith.divsi %sub3A_23, %jit3A_24 : i32
    %sign3A_26 = arith.constant 0 : i32
    %sign3A_27 = arith.cmpi sgt, %sub3A_23, %sign3A_26 : i32
    %sign3A_28 = arith.extui %sign3A_27 : i1 to i32
    %sign3A_29 = arith.constant 0 : i32
    %sign3A_30 = arith.cmpi slt, %sub3A_23, %sign3A_29 : i32
    %sign3A_31 = arith.extui %sign3A_30 : i1 to i32
    %sign3A_32 = arith.subi %sign3A_28, %sign3A_31 : i32
    %sign3A_33 = arith.constant 0 : i32
    %sign3A_34 = arith.cmpi sgt, %jit3A_24, %sign3A_33 : i32
    %sign3A_35 = arith.extui %sign3A_34 : i1 to i32
    %sign3A_36 = arith.constant 0 : i32
    %sign3A_37 = arith.cmpi slt, %jit3A_24, %sign3A_36 : i32
    %sign3A_38 = arith.extui %sign3A_37 : i1 to i32
    %sign3A_39 = arith.subi %sign3A_35, %sign3A_38 : i32
    %ne3A_40 = arith.cmpi ne, %sign3A_32, %sign3A_39 : i32
    %rem3A_41 = arith.remsi %sub3A_23, %jit3A_24 : i32
    %ne3A_42 = arith.constant 0 : i32
    %ne3A_43 = arith.cmpi ne, %rem3A_41, %ne3A_42 : i32
    %and3A_44 = arith.andi %ne3A_40, %ne3A_43 : i1
    %sub3A_45 = arith.constant 1 : i32
    %sub3A_46 = arith.subi %div3A_25, %sub3A_45 : i32
    %select_n3A_47 = arith.select %and3A_44, %sub3A_46, %div3A_25 : i32
    %mul3A_48 = arith.constant 32 : i32
    %mul3A_49 = arith.muli %select_n3A_47, %mul3A_48 : i32
    %sub3A_50 = arith.subi %sub3A_23, %mul3A_49 : i32
    %mul3A_51 = arith.constant 65536 : i32
    %mul3A_52 = arith.muli %select_n3A, %mul3A_51 : i32
    %mul3A_53 = arith.constant 8 : i32
    %mul3A_54 = arith.muli %select_n3A_47, %mul3A_53 : i32
    %add3A_55 = arith.addi %mul3A_52, %mul3A_54 : i32
    %mul3A_56 = arith.constant 128 : i32
    %mul3A_57 = arith.muli %sub3A_50, %mul3A_56 : i32
    %parallel_loop3A_58 = arith.constant 0 : i32
    %parallel_loop3A_59 = arith.constant 8 : i32
    %parallel_loop3A_60 = arith.constant 1 : i32
    scf.for %parallel_loop3A_163 = %parallel_loop3A_58 to %parallel_loop3A_59 step %parallel_loop3A_60  : i32 {
      %parallel_loop3A_164 = arith.constant 16 : i32
      %parallel_loop3A_165 = arith.muli %parallel_loop3A_163, %parallel_loop3A_164 : i32
      %parallel_loop3A_166 = arith.addi %mul3A_57, %parallel_loop3A_165 : i32
      %parallel_loop3A_167 = arith.index_cast %parallel_loop3A_166 : i32 to index
      %parallel_loop3A_168 = tpu.vector_load %arg5[%parallel_loop3A_167] {strides = array<i32>} : memref<4096xi32, #tpu.memory_space<vmem>>, vector<16xi32>,
      %parallel_loop3A_169 = vector.broadcast %add3A_55 : i32 to vector<16xi32>
      %parallel_loop3A_170 = arith.addi %parallel_loop3A_168, %parallel_loop3A_169 : vector<16xi32>
      %parallel_loop3A_171 = arith.constant 16 : i32
      %parallel_loop3A_172 = arith.muli %parallel_loop3A_163, %parallel_loop3A_171 : i32
      %parallel_loop3A_173 = arith.index_cast %parallel_loop3A_172 : i32 to index
      %parallel_loop3A_174 = tpu.vector_load %arg6[%parallel_loop3A_173] {strides = array<i32>} : memref<128xi32, #tpu.memory_space<vmem>>, vector<16xi32>,
      tpu.vector_store %arg6[%parallel_loop3A_173], %parallel_loop3A_170 {strides = array<i32>} : memref<128xi32, #tpu.memory_space<vmem>>, vector<16xi32>,
    } {sc.loop_unroll_factor = 4 : i64, sc.parallel_access}
    %dma_start3A = arith.constant 0 : i32
    %dma_start3A_61 = arith.constant 0 : i32
    %dma_start3A_62 = tpu.memref_slice %arg2[%dma_start3A, %dma_start3A_61] : memref<196608x128xf32, #tpu.memory_space<hbm>> -> memref<196608x128xf32, #tpu.memory_space<hbm>>
    tpu.enqueue_indirect_dma source(%dma_start3A_62 : memref<196608x128xf32, #tpu.memory_space<hbm>>) target(%arg9 : memref<128x128xf32, #tpu.memory_space<vmem>>) offsets(%arg6 : memref<128xi32, #tpu.memory_space<vmem>>) semaphore(%arg15 : memref<!tpu.dma_semaphore, #tpu.memory_space<semaphore_mem>>)
    %add3A_63 = arith.constant 1 : i32
    %add3A_64 = arith.addi %mul3A_2, %add3A_63 : i32
    %jit3A_65 = arith.constant 512 : i32
    %div3A_66 = arith.divsi %add3A_64, %jit3A_65 : i32
    %sign3A_67 = arith.constant 0 : i32
    %sign3A_68 = arith.cmpi sgt, %add3A_64, %sign3A_67 : i32
    %sign3A_69 = arith.extui %sign3A_68 : i1 to i32
    %sign3A_70 = arith.constant 0 : i32
    %sign3A_71 = arith.cmpi slt, %add3A_64, %sign3A_70 : i32
    %sign3A_72 = arith.extui %sign3A_71 : i1 to i32
    %sign3A_73 = arith.subi %sign3A_69, %sign3A_72 : i32
    %sign3A_74 = arith.constant 0 : i32
    %sign3A_75 = arith.cmpi sgt, %jit3A_65, %sign3A_74 : i32
    %sign3A_76 = arith.extui %sign3A_75 : i1 to i32
    %sign3A_77 = arith.constant 0 : i32
    %sign3A_78 = arith.cmpi slt, %jit3A_65, %sign3A_77 : i32
    %sign3A_79 = arith.extui %sign3A_78 : i1 to i32
    %sign3A_80 = arith.subi %sign3A_76, %sign3A_79 : i32
    %ne3A_81 = arith.cmpi ne, %sign3A_73, %sign3A_80 : i32
    %rem3A_82 = arith.remsi %add3A_64, %jit3A_65 : i32
    %ne3A_83 = arith.constant 0 : i32
    %ne3A_84 = arith.cmpi ne, %rem3A_82, %ne3A_83 : i32
    %and3A_85 = arith.andi %ne3A_81, %ne3A_84 : i1
    %sub3A_86 = arith.constant 1 : i32
    %sub3A_87 = arith.subi %div3A_66, %sub3A_86 : i32
    %select_n3A_88 = arith.select %and3A_85, %sub3A_87, %div3A_66 : i32
    %mul3A_89 = arith.constant 512 : i32
    %mul3A_90 = arith.muli %select_n3A_88, %mul3A_89 : i32
    %sub3A_91 = arith.subi %add3A_64, %mul3A_90 : i32
    %jit3A_92 = arith.constant 32 : i32
    %div3A_93 = arith.divsi %sub3A_91, %jit3A_92 : i32
    %sign3A_94 = arith.constant 0 : i32
    %sign3A_95 = arith.cmpi sgt, %sub3A_91, %sign3A_94 : i32
    %sign3A_96 = arith.extui %sign3A_95 : i1 to i32
    %sign3A_97 = arith.constant 0 : i32
    %sign3A_98 = arith.cmpi slt, %sub3A_91, %sign3A_97 : i32
    %sign3A_99 = arith.extui %sign3A_98 : i1 to i32
    %sign3A_100 = arith.subi %sign3A_96, %sign3A_99 : i32
    %sign3A_101 = arith.constant 0 : i32
    %sign3A_102 = arith.cmpi sgt, %jit3A_92, %sign3A_101 : i32
    %sign3A_103 = arith.extui %sign3A_102 : i1 to i32
    %sign3A_104 = arith.constant 0 : i32
    %sign3A_105 = arith.cmpi slt, %jit3A_92, %sign3A_104 : i32
    %sign3A_106 = arith.extui %sign3A_105 : i1 to i32
    %sign3A_107 = arith.subi %sign3A_103, %sign3A_106 : i32
    %ne3A_108 = arith.cmpi ne, %sign3A_100, %sign3A_107 : i32
    %rem3A_109 = arith.remsi %sub3A_91, %jit3A_92 : i32
    %ne3A_110 = arith.constant 0 : i32
    %ne3A_111 = arith.cmpi ne, %rem3A_109, %ne3A_110 : i32
    %and3A_112 = arith.andi %ne3A_108, %ne3A_111 : i1
    %sub3A_113 = arith.constant 1 : i32
    %sub3A_114 = arith.subi %div3A_93, %sub3A_113 : i32
    %select_n3A_115 = arith.select %and3A_112, %sub3A_114, %div3A_93 : i32
    %mul3A_116 = arith.constant 32 : i32
    %mul3A_117 = arith.muli %select_n3A_115, %mul3A_116 : i32
    %sub3A_118 = arith.subi %sub3A_91, %mul3A_117 : i32
    %mul3A_119 = arith.constant 65536 : i32
    %mul3A_120 = arith.muli %select_n3A_88, %mul3A_119 : i32
    %mul3A_121 = arith.constant 8 : i32
    %mul3A_122 = arith.muli %select_n3A_115, %mul3A_121 : i32
    %add3A_123 = arith.addi %mul3A_120, %mul3A_122 : i32
    %mul3A_124 = arith.constant 128 : i32
    %mul3A_125 = arith.muli %sub3A_118, %mul3A_124 : i32
    %parallel_loop3A_126 = arith.constant 0 : i32
    %parallel_loop3A_127 = arith.constant 8 : i32
    %parallel_loop3A_128 = arith.constant 1 : i32
    scf.for %parallel_loop3A_163 = %parallel_loop3A_126 to %parallel_loop3A_127 step %parallel_loop3A_128  : i32 {
      %parallel_loop3A_164 = arith.constant 16 : i32
      %parallel_loop3A_165 = arith.muli %parallel_loop3A_163, %parallel_loop3A_164 : i32
      %parallel_loop3A_166 = arith.addi %mul3A_125, %parallel_loop3A_165 : i32
      %parallel_loop3A_167 = arith.index_cast %parallel_loop3A_166 : i32 to index
      %parallel_loop3A_168 = tpu.vector_load %arg5[%parallel_loop3A_167] {strides = array<i32>} : memref<4096xi32, #tpu.memory_space<vmem>>, vector<16xi32>,
      %parallel_loop3A_169 = vector.broadcast %add3A_123 : i32 to vector<16xi32>
      %parallel_loop3A_170 = arith.addi %parallel_loop3A_168, %parallel_loop3A_169 : vector<16xi32>
      %parallel_loop3A_171 = arith.constant 16 : i32
      %parallel_loop3A_172 = arith.muli %parallel_loop3A_163, %parallel_loop3A_171 : i32
      %parallel_loop3A_173 = arith.index_cast %parallel_loop3A_172 : i32 to index
      %parallel_loop3A_174 = tpu.vector_load %arg7[%parallel_loop3A_173] {strides = array<i32>} : memref<128xi32, #tpu.memory_space<vmem>>, vector<16xi32>,
      tpu.vector_store %arg7[%parallel_loop3A_173], %parallel_loop3A_170 {strides = array<i32>} : memref<128xi32, #tpu.memory_space<vmem>>, vector<16xi32>,
    } {sc.loop_unroll_factor = 4 : i64, sc.parallel_access}
    %dma_start3A_129 = arith.constant 0 : i32
    %dma_start3A_130 = arith.constant 0 : i32
    %dma_start3A_131 = tpu.memref_slice %arg2[%dma_start3A_129, %dma_start3A_130] : memref<196608x128xf32, #tpu.memory_space<hbm>> -> memref<196608x128xf32, #tpu.memory_space<hbm>>
    tpu.enqueue_indirect_dma source(%dma_start3A_131 : memref<196608x128xf32, #tpu.memory_space<hbm>>) target(%arg10 : memref<128x128xf32, #tpu.memory_space<vmem>>) offsets(%arg7 : memref<128xi32, #tpu.memory_space<vmem>>) semaphore(%arg16 : memref<!tpu.dma_semaphore, #tpu.memory_space<semaphore_mem>>)
    %scan3A = arith.constant 0 : i32
    %scan3A_132 = arith.constant 0 : i32
    %scan3A_133 = arith.constant 16 : i32
    %scan3A_134 = arith.addi %scan3A_132, %scan3A_133 : i32
    %scan3A_135 = arith.constant 1 : i32
    scf.for %scan3A_163 = %scan3A_132 to %scan3A_134 step %scan3A_135  : i32 {
      %mul3A_164 = arith.constant 3 : i32
      %mul3A_165 = arith.muli %scan3A_163, %mul3A_164 : i32
      %add3A_166 = arith.addi %mul3A_2, %mul3A_165 : i32
      %add3A_167 = arith.constant 0 : i32
      %add3A_168 = arith.addi %add3A_166, %add3A_167 : i32
      %mul3A_169 = arith.constant 3 : i32
      %mul3A_170 = arith.muli %scan3A_163, %mul3A_169 : i32
      %add3A_171 = arith.constant 0 : i32
      %add3A_172 = arith.addi %mul3A_170, %add3A_171 : i32
      %add3A_173 = arith.constant 2 : i32
      %add3A_174 = arith.addi %add3A_172, %add3A_173 : i32
      %lt3A = arith.constant 48 : i32
      %lt3A_175 = arith.cmpi slt, %add3A_174, %lt3A : i32
      %convert_element_type3A = arith.extui %lt3A_175 : i1 to i32
      %cond3A = arith.constant 0 : i32
      %cond3A_176 = arith.cmpi ne, %convert_element_type3A, %cond3A : i32
      scf.if %cond3A_176 {
        %add3A_439 = arith.constant 2 : i32
        %add3A_440 = arith.addi %add3A_168, %add3A_439 : i32
        %jit3A_441 = arith.constant 512 : i32
        %div3A_442 = arith.divsi %add3A_440, %jit3A_441 : i32
        %sign3A_443 = arith.constant 0 : i32
        %sign3A_444 = arith.cmpi sgt, %add3A_440, %sign3A_443 : i32
        %sign3A_445 = arith.extui %sign3A_444 : i1 to i32
        %sign3A_446 = arith.constant 0 : i32
        %sign3A_447 = arith.cmpi slt, %add3A_440, %sign3A_446 : i32
        %sign3A_448 = arith.extui %sign3A_447 : i1 to i32
        %sign3A_449 = arith.subi %sign3A_445, %sign3A_448 : i32
        %sign3A_450 = arith.constant 0 : i32
        %sign3A_451 = arith.cmpi sgt, %jit3A_441, %sign3A_450 : i32
        %sign3A_452 = arith.extui %sign3A_451 : i1 to i32
        %sign3A_453 = arith.constant 0 : i32
        %sign3A_454 = arith.cmpi slt, %jit3A_441, %sign3A_453 : i32
        %sign3A_455 = arith.extui %sign3A_454 : i1 to i32
        %sign3A_456 = arith.subi %sign3A_452, %sign3A_455 : i32
        %ne3A_457 = arith.cmpi ne, %sign3A_449, %sign3A_456 : i32
        %rem3A_458 = arith.remsi %add3A_440, %jit3A_441 : i32
        %ne3A_459 = arith.constant 0 : i32
        %ne3A_460 = arith.cmpi ne, %rem3A_458, %ne3A_459 : i32
        %and3A_461 = arith.andi %ne3A_457, %ne3A_460 : i1
        %sub3A_462 = arith.constant 1 : i32
        %sub3A_463 = arith.subi %div3A_442, %sub3A_462 : i32
        %select_n3A_464 = arith.select %and3A_461, %sub3A_463, %div3A_442 : i32
        %mul3A_465 = arith.constant 512 : i32
        %mul3A_466 = arith.muli %select_n3A_464, %mul3A_465 : i32
        %sub3A_467 = arith.subi %add3A_440, %mul3A_466 : i32
        %jit3A_468 = arith.constant 32 : i32
        %div3A_469 = arith.divsi %sub3A_467, %jit3A_468 : i32
        %sign3A_470 = arith.constant 0 : i32
        %sign3A_471 = arith.cmpi sgt, %sub3A_467, %sign3A_470 : i32
        %sign3A_472 = arith.extui %sign3A_471 : i1 to i32
        %sign3A_473 = arith.constant 0 : i32
        %sign3A_474 = arith.cmpi slt, %sub3A_467, %sign3A_473 : i32
        %sign3A_475 = arith.extui %sign3A_474 : i1 to i32
        %sign3A_476 = arith.subi %sign3A_472, %sign3A_475 : i32
        %sign3A_477 = arith.constant 0 : i32
        %sign3A_478 = arith.cmpi sgt, %jit3A_468, %sign3A_477 : i32
        %sign3A_479 = arith.extui %sign3A_478 : i1 to i32
        %sign3A_480 = arith.constant 0 : i32
        %sign3A_481 = arith.cmpi slt, %jit3A_468, %sign3A_480 : i32
        %sign3A_482 = arith.extui %sign3A_481 : i1 to i32
        %sign3A_483 = arith.subi %sign3A_479, %sign3A_482 : i32
        %ne3A_484 = arith.cmpi ne, %sign3A_476, %sign3A_483 : i32
        %rem3A_485 = arith.remsi %sub3A_467, %jit3A_468 : i32
        %ne3A_486 = arith.constant 0 : i32
        %ne3A_487 = arith.cmpi ne, %rem3A_485, %ne3A_486 : i32
        %and3A_488 = arith.andi %ne3A_484, %ne3A_487 : i1
        %sub3A_489 = arith.constant 1 : i32
        %sub3A_490 = arith.subi %div3A_469, %sub3A_489 : i32
        %select_n3A_491 = arith.select %and3A_488, %sub3A_490, %div3A_469 : i32
        %mul3A_492 = arith.constant 32 : i32
        %mul3A_493 = arith.muli %select_n3A_491, %mul3A_492 : i32
        %sub3A_494 = arith.subi %sub3A_467, %mul3A_493 : i32
        %mul3A_495 = arith.constant 65536 : i32
        %mul3A_496 = arith.muli %select_n3A_464, %mul3A_495 : i32
        %mul3A_497 = arith.constant 8 : i32
        %mul3A_498 = arith.muli %select_n3A_491, %mul3A_497 : i32
        %add3A_499 = arith.addi %mul3A_496, %mul3A_498 : i32
        %mul3A_500 = arith.constant 128 : i32
        %mul3A_501 = arith.muli %sub3A_494, %mul3A_500 : i32
        %parallel_loop3A_502 = arith.constant 0 : i32
        %parallel_loop3A_503 = arith.constant 8 : i32
        %parallel_loop3A_504 = arith.constant 1 : i32
        scf.for %parallel_loop3A_508 = %parallel_loop3A_502 to %parallel_loop3A_503 step %parallel_loop3A_504  : i32 {
          %parallel_loop3A_509 = arith.constant 16 : i32
          %parallel_loop3A_510 = arith.muli %parallel_loop3A_508, %parallel_loop3A_509 : i32
          %parallel_loop3A_511 = arith.addi %mul3A_501, %parallel_loop3A_510 : i32
          %parallel_loop3A_512 = arith.index_cast %parallel_loop3A_511 : i32 to index
          %parallel_loop3A_513 = tpu.vector_load %arg5[%parallel_loop3A_512] {strides = array<i32>} : memref<4096xi32, #tpu.memory_space<vmem>>, vector<16xi32>,
          %parallel_loop3A_514 = vector.broadcast %add3A_499 : i32 to vector<16xi32>
          %parallel_loop3A_515 = arith.addi %parallel_loop3A_513, %parallel_loop3A_514 : vector<16xi32>
          %parallel_loop3A_516 = arith.constant 16 : i32
          %parallel_loop3A_517 = arith.muli %parallel_loop3A_508, %parallel_loop3A_516 : i32
          %parallel_loop3A_518 = arith.index_cast %parallel_loop3A_517 : i32 to index
          %parallel_loop3A_519 = tpu.vector_load %arg8[%parallel_loop3A_518] {strides = array<i32>} : memref<128xi32, #tpu.memory_space<vmem>>, vector<16xi32>,
          tpu.vector_store %arg8[%parallel_loop3A_518], %parallel_loop3A_515 {strides = array<i32>} : memref<128xi32, #tpu.memory_space<vmem>>, vector<16xi32>,
        } {sc.loop_unroll_factor = 4 : i64, sc.parallel_access}
        %dma_start3A_505 = arith.constant 0 : i32
        %dma_start3A_506 = arith.constant 0 : i32
        %dma_start3A_507 = tpu.memref_slice %arg2[%dma_start3A_505, %dma_start3A_506] : memref<196608x128xf32, #tpu.memory_space<hbm>> -> memref<196608x128xf32, #tpu.memory_space<hbm>>
        tpu.enqueue_indirect_dma source(%dma_start3A_507 : memref<196608x128xf32, #tpu.memory_space<hbm>>) target(%arg11 : memref<128x128xf32, #tpu.memory_space<vmem>>) offsets(%arg8 : memref<128xi32, #tpu.memory_space<vmem>>) semaphore(%arg17 : memref<!tpu.dma_semaphore, #tpu.memory_space<semaphore_mem>>)
      } else {
      }
      %dma_wait3A_177 = arith.constant 0 : i32
      %dma_wait3A_178 = arith.constant 0 : i32
      %dma_wait3A_179 = tpu.memref_slice %arg2[%dma_wait3A_177, %dma_wait3A_178] : memref<196608x128xf32, #tpu.memory_space<hbm>> -> memref<196608x128xf32, #tpu.memory_space<hbm>>
      tpu.wait_indirect_dma semaphore(%arg15 : memref<!tpu.dma_semaphore, #tpu.memory_space<semaphore_mem>>) src(%dma_wait3A_179 : memref<196608x128xf32, #tpu.memory_space<hbm>>) dst(%arg9 : memref<128x128xf32, #tpu.memory_space<vmem>>)
      %mul3A_180 = arith.constant 3 : i32
      %mul3A_181 = arith.muli %scan3A_163, %mul3A_180 : i32
      %add3A_182 = arith.constant 0 : i32
      %add3A_183 = arith.addi %mul3A_181, %add3A_182 : i32
      %ge3A = arith.constant 3 : i32
      %ge3A_184 = arith.cmpi sge, %add3A_183, %ge3A : i32
      %convert_element_type3A_185 = arith.extui %ge3A_184 : i1 to i32
      %cond3A_186 = arith.constant 0 : i32
      %cond3A_187 = arith.cmpi ne, %convert_element_type3A_185, %cond3A_186 : i32
      scf.if %cond3A_187 {
        %dma_wait3A_439 = arith.constant 0 : i32
        %dma_wait3A_440 = arith.constant 0 : i32
        %dma_wait3A_441 = arith.constant 0 : i32
        %dma_wait3A_442 = tpu.memref_slice %arg4[%dma_wait3A_439, %dma_wait3A_440, %dma_wait3A_441] : memref<3x2048x4096xf32, #tpu.memory_space<hbm>> -> memref<1x128x128xf32, #tpu.memory_space<hbm>>
        %dma_wait3A_443 = tpu.memref_squeeze %dma_wait3A_442 : memref<1x128x128xf32, #tpu.memory_space<hbm>> -> memref<128x128xf32, #tpu.memory_space<hbm>>
        %dma_wait3A_444 = arith.constant 0 : i32
        %dma_wait3A_445 = arith.constant 0 : i32
        %dma_wait3A_446 = tpu.memref_slice %arg4[%dma_wait3A_439, %dma_wait3A_444, %dma_wait3A_445] : memref<3x2048x4096xf32, #tpu.memory_space<hbm>> -> memref<1x128x128xf32, #tpu.memory_space<hbm>>
        %dma_wait3A_447 = tpu.memref_squeeze %dma_wait3A_446 : memref<1x128x128xf32, #tpu.memory_space<hbm>> -> memref<128x128xf32, #tpu.memory_space<hbm>>
        tpu.wait_dma2 semaphore(%arg18 : memref<!tpu.dma_semaphore, #tpu.memory_space<semaphore_mem>>) src(%arg12 : memref<128x128xf32, #tpu.memory_space<vmem>>) dst(%dma_wait3A_447 : memref<128x128xf32, #tpu.memory_space<hbm>>)
      } else {
      }
      %parallel_loop3A_188 = arith.constant 0 : i32
      %parallel_loop3A_189 = arith.constant 1024 : i32
      %parallel_loop3A_190 = arith.constant 1 : i32
      scf.for %parallel_loop3A_439 = %parallel_loop3A_188 to %parallel_loop3A_189 step %parallel_loop3A_190  : i32 {
        %parallel_loop3A_440 = arith.constant 16 : i32
        %parallel_loop3A_441 = arith.divsi %parallel_loop3A_439, %parallel_loop3A_440 : i32
        %parallel_loop3A_442 = arith.constant 0 : i32
        %parallel_loop3A_443 = arith.cmpi sgt, %parallel_loop3A_439, %parallel_loop3A_442 : i32
        %parallel_loop3A_444 = arith.extui %parallel_loop3A_443 : i1 to i32
        %parallel_loop3A_445 = arith.constant 0 : i32
        %parallel_loop3A_446 = arith.cmpi slt, %parallel_loop3A_439, %parallel_loop3A_445 : i32
        %parallel_loop3A_447 = arith.extui %parallel_loop3A_446 : i1 to i32
        %parallel_loop3A_448 = arith.subi %parallel_loop3A_444, %parallel_loop3A_447 : i32
        %parallel_loop3A_449 = arith.constant 0 : i32
        %parallel_loop3A_450 = arith.cmpi sgt, %parallel_loop3A_440, %parallel_loop3A_449 : i32
        %parallel_loop3A_451 = arith.extui %parallel_loop3A_450 : i1 to i32
        %parallel_loop3A_452 = arith.constant 0 : i32
        %parallel_loop3A_453 = arith.cmpi slt, %parallel_loop3A_440, %parallel_loop3A_452 : i32
        %parallel_loop3A_454 = arith.extui %parallel_loop3A_453 : i1 to i32
        %parallel_loop3A_455 = arith.subi %parallel_loop3A_451, %parallel_loop3A_454 : i32
        %parallel_loop3A_456 = arith.cmpi ne, %parallel_loop3A_448, %parallel_loop3A_455 : i32
        %parallel_loop3A_457 = arith.remsi %parallel_loop3A_439, %parallel_loop3A_440 : i32
        %parallel_loop3A_458 = arith.constant 0 : i32
        %parallel_loop3A_459 = arith.cmpi ne, %parallel_loop3A_457, %parallel_loop3A_458 : i32
        %parallel_loop3A_460 = arith.andi %parallel_loop3A_456, %parallel_loop3A_459 : i1
        %parallel_loop3A_461 = arith.constant 1 : i32
        %parallel_loop3A_462 = arith.subi %parallel_loop3A_441, %parallel_loop3A_461 : i32
        %parallel_loop3A_463 = arith.select %parallel_loop3A_460, %parallel_loop3A_462, %parallel_loop3A_441 : i32
        %parallel_loop3A_464 = arith.constant 16 : i32
        %parallel_loop3A_465 = arith.muli %parallel_loop3A_463, %parallel_loop3A_464 : i32
        %parallel_loop3A_466 = arith.subi %parallel_loop3A_439, %parallel_loop3A_465 : i32
        %parallel_loop3A_467 = arith.constant 8 : i32
        %parallel_loop3A_468 = arith.divsi %parallel_loop3A_463, %parallel_loop3A_467 : i32
        %parallel_loop3A_469 = arith.constant 0 : i32
        %parallel_loop3A_470 = arith.cmpi sgt, %parallel_loop3A_463, %parallel_loop3A_469 : i32
        %parallel_loop3A_471 = arith.extui %parallel_loop3A_470 : i1 to i32
        %parallel_loop3A_472 = arith.constant 0 : i32
        %parallel_loop3A_473 = arith.cmpi slt, %parallel_loop3A_463, %parallel_loop3A_472 : i32
        %parallel_loop3A_474 = arith.extui %parallel_loop3A_473 : i1 to i32
        %parallel_loop3A_475 = arith.subi %parallel_loop3A_471, %parallel_loop3A_474 : i32
        %parallel_loop3A_476 = arith.constant 0 : i32
        %parallel_loop3A_477 = arith.cmpi sgt, %parallel_loop3A_467, %parallel_loop3A_476 : i32
        %parallel_loop3A_478 = arith.extui %parallel_loop3A_477 : i1 to i32
        %parallel_loop3A_479 = arith.constant 0 : i32
        %parallel_loop3A_480 = arith.cmpi slt, %parallel_loop3A_467, %parallel_loop3A_479 : i32
        %parallel_loop3A_481 = arith.extui %parallel_loop3A_480 : i1 to i32
        %parallel_loop3A_482 = arith.subi %parallel_loop3A_478, %parallel_loop3A_481 : i32
        %parallel_loop3A_483 = arith.cmpi ne, %parallel_loop3A_475, %parallel_loop3A_482 : i32
        %parallel_loop3A_484 = arith.remsi %parallel_loop3A_463, %parallel_loop3A_467 : i32
        %parallel_loop3A_485 = arith.constant 0 : i32
        %parallel_loop3A_486 = arith.cmpi ne, %parallel_loop3A_484, %parallel_loop3A_485 : i32
        %parallel_loop3A_487 = arith.andi %parallel_loop3A_483, %parallel_loop3A_486 : i1
        %parallel_loop3A_488 = arith.constant 1 : i32
        %parallel_loop3A_489 = arith.subi %parallel_loop3A_468, %parallel_loop3A_488 : i32
        %parallel_loop3A_490 = arith.select %parallel_loop3A_487, %parallel_loop3A_489, %parallel_loop3A_468 : i32
        %parallel_loop3A_491 = arith.constant 8 : i32
        %parallel_loop3A_492 = arith.muli %parallel_loop3A_490, %parallel_loop3A_491 : i32
        %parallel_loop3A_493 = arith.subi %parallel_loop3A_463, %parallel_loop3A_492 : i32
        %parallel_loop3A_494 = arith.constant 16 : i32
        %parallel_loop3A_495 = arith.muli %parallel_loop3A_490, %parallel_loop3A_494 : i32
        %parallel_loop3A_496 = arith.constant 16 : i32
        %parallel_loop3A_497 = arith.muli %parallel_loop3A_493, %parallel_loop3A_496 : i32
        %parallel_loop3A_498 = vector.broadcast %parallel_loop3A_466 : i32 to vector<16xi32>
        %parallel_loop3A_499 = arith.addi %iota3A, %parallel_loop3A_498 : vector<16xi32>
        %parallel_loop3A_500 = arith.constant 15 : i32
        %parallel_loop3A_501 = vector.broadcast %parallel_loop3A_500 : i32 to vector<16xi32>
        %parallel_loop3A_502 = arith.andi %parallel_loop3A_499, %parallel_loop3A_501 : vector<16xi32>
        %parallel_loop3A_503 = vector.broadcast %parallel_loop3A_495 : i32 to vector<16xi32>
        %parallel_loop3A_504 = arith.addi %parallel_loop3A_503, %iota3A : vector<16xi32>
        %parallel_loop3A_505 = vector.broadcast %parallel_loop3A_497 : i32 to vector<16xi32>
        %parallel_loop3A_506 = arith.addi %parallel_loop3A_505, %parallel_loop3A_502 : vector<16xi32>
        %parallel_loop3A_507 = tpu.vector_load_idx %arg9[%parallel_loop3A_504, %parallel_loop3A_506] : memref<128x128xf32, #tpu.memory_space<vmem>>[vector<16xi32>, vector<16xi32>], vector<16xf32>,
        %parallel_loop3A_508 = vector.broadcast %parallel_loop3A_497 : i32 to vector<16xi32>
        %parallel_loop3A_509 = arith.addi %parallel_loop3A_508, %parallel_loop3A_502 : vector<16xi32>
        %parallel_loop3A_510 = vector.broadcast %parallel_loop3A_495 : i32 to vector<16xi32>
        %parallel_loop3A_511 = arith.addi %parallel_loop3A_510, %iota3A : vector<16xi32>
        tpu.vector_store_idx %arg12[%parallel_loop3A_509, %parallel_loop3A_511], %parallel_loop3A_507 : memref<128x128xf32, #tpu.memory_space<vmem>>[vector<16xi32>, vector<16xi32>], vector<16xf32>,
      } {sc.loop_unroll_factor = 8 : i64, sc.parallel_access}
      %jit3A_191 = arith.constant 512 : i32
      %div3A_192 = arith.divsi %add3A_168, %jit3A_191 : i32
      %sign3A_193 = arith.constant 0 : i32
      %sign3A_194 = arith.cmpi sgt, %add3A_168, %sign3A_193 : i32
      %sign3A_195 = arith.extui %sign3A_194 : i1 to i32
      %sign3A_196 = arith.constant 0 : i32
      %sign3A_197 = arith.cmpi slt, %add3A_168, %sign3A_196 : i32
      %sign3A_198 = arith.extui %sign3A_197 : i1 to i32
      %sign3A_199 = arith.subi %sign3A_195, %sign3A_198 : i32
      %sign3A_200 = arith.constant 0 : i32
      %sign3A_201 = arith.cmpi sgt, %jit3A_191, %sign3A_200 : i32
      %sign3A_202 = arith.extui %sign3A_201 : i1 to i32
      %sign3A_203 = arith.constant 0 : i32
      %sign3A_204 = arith.cmpi slt, %jit3A_191, %sign3A_203 : i32
      %sign3A_205 = arith.extui %sign3A_204 : i1 to i32
      %sign3A_206 = arith.subi %sign3A_202, %sign3A_205 : i32
      %ne3A_207 = arith.cmpi ne, %sign3A_199, %sign3A_206 : i32
      %rem3A_208 = arith.remsi %add3A_168, %jit3A_191 : i32
      %ne3A_209 = arith.constant 0 : i32
      %ne3A_210 = arith.cmpi ne, %rem3A_208, %ne3A_209 : i32
      %and3A_211 = arith.andi %ne3A_207, %ne3A_210 : i1
      %sub3A_212 = arith.constant 1 : i32
      %sub3A_213 = arith.subi %div3A_192, %sub3A_212 : i32
      %select_n3A_214 = arith.select %and3A_211, %sub3A_213, %div3A_192 : i32
      %mul3A_215 = arith.constant 512 : i32
      %mul3A_216 = arith.muli %select_n3A_214, %mul3A_215 : i32
      %sub3A_217 = arith.subi %add3A_168, %mul3A_216 : i32
      %jit3A_218 = arith.constant 32 : i32
      %div3A_219 = arith.divsi %sub3A_217, %jit3A_218 : i32
      %sign3A_220 = arith.constant 0 : i32
      %sign3A_221 = arith.cmpi sgt, %sub3A_217, %sign3A_220 : i32
      %sign3A_222 = arith.extui %sign3A_221 : i1 to i32
      %sign3A_223 = arith.constant 0 : i32
      %sign3A_224 = arith.cmpi slt, %sub3A_217, %sign3A_223 : i32
      %sign3A_225 = arith.extui %sign3A_224 : i1 to i32
      %sign3A_226 = arith.subi %sign3A_222, %sign3A_225 : i32
      %sign3A_227 = arith.constant 0 : i32
      %sign3A_228 = arith.cmpi sgt, %jit3A_218, %sign3A_227 : i32
      %sign3A_229 = arith.extui %sign3A_228 : i1 to i32
      %sign3A_230 = arith.constant 0 : i32
      %sign3A_231 = arith.cmpi slt, %jit3A_218, %sign3A_230 : i32
      %sign3A_232 = arith.extui %sign3A_231 : i1 to i32
      %sign3A_233 = arith.subi %sign3A_229, %sign3A_232 : i32
      %ne3A_234 = arith.cmpi ne, %sign3A_226, %sign3A_233 : i32
      %rem3A_235 = arith.remsi %sub3A_217, %jit3A_218 : i32
      %ne3A_236 = arith.constant 0 : i32
      %ne3A_237 = arith.cmpi ne, %rem3A_235, %ne3A_236 : i32
      %and3A_238 = arith.andi %ne3A_234, %ne3A_237 : i1
      %sub3A_239 = arith.constant 1 : i32
      %sub3A_240 = arith.subi %div3A_219, %sub3A_239 : i32
      %select_n3A_241 = arith.select %and3A_238, %sub3A_240, %div3A_219 : i32
      %mul3A_242 = arith.constant 32 : i32
      %mul3A_243 = arith.muli %select_n3A_241, %mul3A_242 : i32
      %sub3A_244 = arith.subi %sub3A_217, %mul3A_243 : i32
      %mul3A_245 = arith.constant 128 : i32
      %mul3A_246 = arith.muli %select_n3A_241, %mul3A_245 : i32
      %mul3A_247 = arith.constant 128 : i32
      %mul3A_248 = arith.muli %sub3A_244, %mul3A_247 : i32
      %dma_start3A_249 = tpu.memref_slice %arg4[%select_n3A_214, %mul3A_246, %mul3A_248] : memref<3x2048x4096xf32, #tpu.memory_space<hbm>> -> memref<1x128x128xf32, #tpu.memory_space<hbm>>
      %dma_start3A_250 = tpu.memref_squeeze %dma_start3A_249 : memref<1x128x128xf32, #tpu.memory_space<hbm>> -> memref<128x128xf32, #tpu.memory_space<hbm>>
      %dma_start3A_251 = tpu.memref_slice %arg4[%select_n3A_214, %mul3A_246, %mul3A_248] : memref<3x2048x4096xf32, #tpu.memory_space<hbm>> -> memref<1x128x128xf32, #tpu.memory_space<hbm>>
      %dma_start3A_252 = tpu.memref_squeeze %dma_start3A_251 : memref<1x128x128xf32, #tpu.memory_space<hbm>> -> memref<128x128xf32, #tpu.memory_space<hbm>>
      tpu.enqueue_dma source(%arg12 : memref<128x128xf32, #tpu.memory_space<vmem>>) target(%dma_start3A_252 : memref<128x128xf32, #tpu.memory_space<hbm>>) target_semaphore(%arg18 : memref<!tpu.dma_semaphore, #tpu.memory_space<semaphore_mem>>)
      %mul3A_253 = arith.constant 3 : i32
      %mul3A_254 = arith.muli %scan3A_163, %mul3A_253 : i32
      %add3A_255 = arith.addi %mul3A_2, %mul3A_254 : i32
      %add3A_256 = arith.constant 1 : i32
      %add3A_257 = arith.addi %add3A_255, %add3A_256 : i32
      %mul3A_258 = arith.constant 3 : i32
      %mul3A_259 = arith.muli %scan3A_163, %mul3A_258 : i32
      %add3A_260 = arith.constant 1 : i32
      %add3A_261 = arith.addi %mul3A_259, %add3A_260 : i32
      %add3A_262 = arith.constant 2 : i32
      %add3A_263 = arith.addi %add3A_261, %add3A_262 : i32
      %lt3A_264 = arith.constant 48 : i32
      %lt3A_265 = arith.cmpi slt, %add3A_263, %lt3A_264 : i32
      %convert_element_type3A_266 = arith.extui %lt3A_265 : i1 to i32
      %cond3A_267 = arith.constant 0 : i32
      %cond3A_268 = arith.cmpi ne, %convert_element_type3A_266, %cond3A_267 : i32
      scf.if %cond3A_268 {
        %add3A_439 = arith.constant 2 : i32
        %add3A_440 = arith.addi %add3A_257, %add3A_439 : i32
        %jit3A_441 = arith.constant 512 : i32
        %div3A_442 = arith.divsi %add3A_440, %jit3A_441 : i32
        %sign3A_443 = arith.constant 0 : i32
        %sign3A_444 = arith.cmpi sgt, %add3A_440, %sign3A_443 : i32
        %sign3A_445 = arith.extui %sign3A_444 : i1 to i32
        %sign3A_446 = arith.constant 0 : i32
        %sign3A_447 = arith.cmpi slt, %add3A_440, %sign3A_446 : i32
        %sign3A_448 = arith.extui %sign3A_447 : i1 to i32
        %sign3A_449 = arith.subi %sign3A_445, %sign3A_448 : i32
        %sign3A_450 = arith.constant 0 : i32
        %sign3A_451 = arith.cmpi sgt, %jit3A_441, %sign3A_450 : i32
        %sign3A_452 = arith.extui %sign3A_451 : i1 to i32
        %sign3A_453 = arith.constant 0 : i32
        %sign3A_454 = arith.cmpi slt, %jit3A_441, %sign3A_453 : i32
        %sign3A_455 = arith.extui %sign3A_454 : i1 to i32
        %sign3A_456 = arith.subi %sign3A_452, %sign3A_455 : i32
        %ne3A_457 = arith.cmpi ne, %sign3A_449, %sign3A_456 : i32
        %rem3A_458 = arith.remsi %add3A_440, %jit3A_441 : i32
        %ne3A_459 = arith.constant 0 : i32
        %ne3A_460 = arith.cmpi ne, %rem3A_458, %ne3A_459 : i32
        %and3A_461 = arith.andi %ne3A_457, %ne3A_460 : i1
        %sub3A_462 = arith.constant 1 : i32
        %sub3A_463 = arith.subi %div3A_442, %sub3A_462 : i32
        %select_n3A_464 = arith.select %and3A_461, %sub3A_463, %div3A_442 : i32
        %mul3A_465 = arith.constant 512 : i32
        %mul3A_466 = arith.muli %select_n3A_464, %mul3A_465 : i32
        %sub3A_467 = arith.subi %add3A_440, %mul3A_466 : i32
        %jit3A_468 = arith.constant 32 : i32
        %div3A_469 = arith.divsi %sub3A_467, %jit3A_468 : i32
        %sign3A_470 = arith.constant 0 : i32
        %sign3A_471 = arith.cmpi sgt, %sub3A_467, %sign3A_470 : i32
        %sign3A_472 = arith.extui %sign3A_471 : i1 to i32
        %sign3A_473 = arith.constant 0 : i32
        %sign3A_474 = arith.cmpi slt, %sub3A_467, %sign3A_473 : i32
        %sign3A_475 = arith.extui %sign3A_474 : i1 to i32
        %sign3A_476 = arith.subi %sign3A_472, %sign3A_475 : i32
        %sign3A_477 = arith.constant 0 : i32
        %sign3A_478 = arith.cmpi sgt, %jit3A_468, %sign3A_477 : i32
        %sign3A_479 = arith.extui %sign3A_478 : i1 to i32
        %sign3A_480 = arith.constant 0 : i32
        %sign3A_481 = arith.cmpi slt, %jit3A_468, %sign3A_480 : i32
        %sign3A_482 = arith.extui %sign3A_481 : i1 to i32
        %sign3A_483 = arith.subi %sign3A_479, %sign3A_482 : i32
        %ne3A_484 = arith.cmpi ne, %sign3A_476, %sign3A_483 : i32
        %rem3A_485 = arith.remsi %sub3A_467, %jit3A_468 : i32
        %ne3A_486 = arith.constant 0 : i32
        %ne3A_487 = arith.cmpi ne, %rem3A_485, %ne3A_486 : i32
        %and3A_488 = arith.andi %ne3A_484, %ne3A_487 : i1
        %sub3A_489 = arith.constant 1 : i32
        %sub3A_490 = arith.subi %div3A_469, %sub3A_489 : i32
        %select_n3A_491 = arith.select %and3A_488, %sub3A_490, %div3A_469 : i32
        %mul3A_492 = arith.constant 32 : i32
        %mul3A_493 = arith.muli %select_n3A_491, %mul3A_492 : i32
        %sub3A_494 = arith.subi %sub3A_467, %mul3A_493 : i32
        %mul3A_495 = arith.constant 65536 : i32
        %mul3A_496 = arith.muli %select_n3A_464, %mul3A_495 : i32
        %mul3A_497 = arith.constant 8 : i32
        %mul3A_498 = arith.muli %select_n3A_491, %mul3A_497 : i32
        %add3A_499 = arith.addi %mul3A_496, %mul3A_498 : i32
        %mul3A_500 = arith.constant 128 : i32
        %mul3A_501 = arith.muli %sub3A_494, %mul3A_500 : i32
        %parallel_loop3A_502 = arith.constant 0 : i32
        %parallel_loop3A_503 = arith.constant 8 : i32
        %parallel_loop3A_504 = arith.constant 1 : i32
        scf.for %parallel_loop3A_508 = %parallel_loop3A_502 to %parallel_loop3A_503 step %parallel_loop3A_504  : i32 {
          %parallel_loop3A_509 = arith.constant 16 : i32
          %parallel_loop3A_510 = arith.muli %parallel_loop3A_508, %parallel_loop3A_509 : i32
          %parallel_loop3A_511 = arith.addi %mul3A_501, %parallel_loop3A_510 : i32
          %parallel_loop3A_512 = arith.index_cast %parallel_loop3A_511 : i32 to index
          %parallel_loop3A_513 = tpu.vector_load %arg5[%parallel_loop3A_512] {strides = array<i32>} : memref<4096xi32, #tpu.memory_space<vmem>>, vector<16xi32>,
          %parallel_loop3A_514 = vector.broadcast %add3A_499 : i32 to vector<16xi32>
          %parallel_loop3A_515 = arith.addi %parallel_loop3A_513, %parallel_loop3A_514 : vector<16xi32>
          %parallel_loop3A_516 = arith.constant 16 : i32
          %parallel_loop3A_517 = arith.muli %parallel_loop3A_508, %parallel_loop3A_516 : i32
          %parallel_loop3A_518 = arith.index_cast %parallel_loop3A_517 : i32 to index
          %parallel_loop3A_519 = tpu.vector_load %arg6[%parallel_loop3A_518] {strides = array<i32>} : memref<128xi32, #tpu.memory_space<vmem>>, vector<16xi32>,
          tpu.vector_store %arg6[%parallel_loop3A_518], %parallel_loop3A_515 {strides = array<i32>} : memref<128xi32, #tpu.memory_space<vmem>>, vector<16xi32>,
        } {sc.loop_unroll_factor = 4 : i64, sc.parallel_access}
        %dma_start3A_505 = arith.constant 0 : i32
        %dma_start3A_506 = arith.constant 0 : i32
        %dma_start3A_507 = tpu.memref_slice %arg2[%dma_start3A_505, %dma_start3A_506] : memref<196608x128xf32, #tpu.memory_space<hbm>> -> memref<196608x128xf32, #tpu.memory_space<hbm>>
        tpu.enqueue_indirect_dma source(%dma_start3A_507 : memref<196608x128xf32, #tpu.memory_space<hbm>>) target(%arg9 : memref<128x128xf32, #tpu.memory_space<vmem>>) offsets(%arg6 : memref<128xi32, #tpu.memory_space<vmem>>) semaphore(%arg15 : memref<!tpu.dma_semaphore, #tpu.memory_space<semaphore_mem>>)
      } else {
      }
      %dma_wait3A_269 = arith.constant 0 : i32
      %dma_wait3A_270 = arith.constant 0 : i32
      %dma_wait3A_271 = tpu.memref_slice %arg2[%dma_wait3A_269, %dma_wait3A_270] : memref<196608x128xf32, #tpu.memory_space<hbm>> -> memref<196608x128xf32, #tpu.memory_space<hbm>>
      tpu.wait_indirect_dma semaphore(%arg16 : memref<!tpu.dma_semaphore, #tpu.memory_space<semaphore_mem>>) src(%dma_wait3A_271 : memref<196608x128xf32, #tpu.memory_space<hbm>>) dst(%arg10 : memref<128x128xf32, #tpu.memory_space<vmem>>)
      %mul3A_272 = arith.constant 3 : i32
      %mul3A_273 = arith.muli %scan3A_163, %mul3A_272 : i32
      %add3A_274 = arith.constant 1 : i32
      %add3A_275 = arith.addi %mul3A_273, %add3A_274 : i32
      %ge3A_276 = arith.constant 3 : i32
      %ge3A_277 = arith.cmpi sge, %add3A_275, %ge3A_276 : i32
      %convert_element_type3A_278 = arith.extui %ge3A_277 : i1 to i32
      %cond3A_279 = arith.constant 0 : i32
      %cond3A_280 = arith.cmpi ne, %convert_element_type3A_278, %cond3A_279 : i32
      scf.if %cond3A_280 {
        %dma_wait3A_439 = arith.constant 0 : i32
        %dma_wait3A_440 = arith.constant 0 : i32
        %dma_wait3A_441 = arith.constant 0 : i32
        %dma_wait3A_442 = tpu.memref_slice %arg4[%dma_wait3A_439, %dma_wait3A_440, %dma_wait3A_441] : memref<3x2048x4096xf32, #tpu.memory_space<hbm>> -> memref<1x128x128xf32, #tpu.memory_space<hbm>>
        %dma_wait3A_443 = tpu.memref_squeeze %dma_wait3A_442 : memref<1x128x128xf32, #tpu.memory_space<hbm>> -> memref<128x128xf32, #tpu.memory_space<hbm>>
        %dma_wait3A_444 = arith.constant 0 : i32
        %dma_wait3A_445 = arith.constant 0 : i32
        %dma_wait3A_446 = tpu.memref_slice %arg4[%dma_wait3A_439, %dma_wait3A_444, %dma_wait3A_445] : memref<3x2048x4096xf32, #tpu.memory_space<hbm>> -> memref<1x128x128xf32, #tpu.memory_space<hbm>>
        %dma_wait3A_447 = tpu.memref_squeeze %dma_wait3A_446 : memref<1x128x128xf32, #tpu.memory_space<hbm>> -> memref<128x128xf32, #tpu.memory_space<hbm>>
        tpu.wait_dma2 semaphore(%arg19 : memref<!tpu.dma_semaphore, #tpu.memory_space<semaphore_mem>>) src(%arg13 : memref<128x128xf32, #tpu.memory_space<vmem>>) dst(%dma_wait3A_447 : memref<128x128xf32, #tpu.memory_space<hbm>>)
      } else {
      }
      %parallel_loop3A_281 = arith.constant 0 : i32
      %parallel_loop3A_282 = arith.constant 1024 : i32
      %parallel_loop3A_283 = arith.constant 1 : i32
      scf.for %parallel_loop3A_439 = %parallel_loop3A_281 to %parallel_loop3A_282 step %parallel_loop3A_283  : i32 {
        %parallel_loop3A_440 = arith.constant 16 : i32
        %parallel_loop3A_441 = arith.divsi %parallel_loop3A_439, %parallel_loop3A_440 : i32
        %parallel_loop3A_442 = arith.constant 0 : i32
        %parallel_loop3A_443 = arith.cmpi sgt, %parallel_loop3A_439, %parallel_loop3A_442 : i32
        %parallel_loop3A_444 = arith.extui %parallel_loop3A_443 : i1 to i32
        %parallel_loop3A_445 = arith.constant 0 : i32
        %parallel_loop3A_446 = arith.cmpi slt, %parallel_loop3A_439, %parallel_loop3A_445 : i32
        %parallel_loop3A_447 = arith.extui %parallel_loop3A_446 : i1 to i32
        %parallel_loop3A_448 = arith.subi %parallel_loop3A_444, %parallel_loop3A_447 : i32
        %parallel_loop3A_449 = arith.constant 0 : i32
        %parallel_loop3A_450 = arith.cmpi sgt, %parallel_loop3A_440, %parallel_loop3A_449 : i32
        %parallel_loop3A_451 = arith.extui %parallel_loop3A_450 : i1 to i32
        %parallel_loop3A_452 = arith.constant 0 : i32
        %parallel_loop3A_453 = arith.cmpi slt, %parallel_loop3A_440, %parallel_loop3A_452 : i32
        %parallel_loop3A_454 = arith.extui %parallel_loop3A_453 : i1 to i32
        %parallel_loop3A_455 = arith.subi %parallel_loop3A_451, %parallel_loop3A_454 : i32
        %parallel_loop3A_456 = arith.cmpi ne, %parallel_loop3A_448, %parallel_loop3A_455 : i32
        %parallel_loop3A_457 = arith.remsi %parallel_loop3A_439, %parallel_loop3A_440 : i32
        %parallel_loop3A_458 = arith.constant 0 : i32
        %parallel_loop3A_459 = arith.cmpi ne, %parallel_loop3A_457, %parallel_loop3A_458 : i32
        %parallel_loop3A_460 = arith.andi %parallel_loop3A_456, %parallel_loop3A_459 : i1
        %parallel_loop3A_461 = arith.constant 1 : i32
        %parallel_loop3A_462 = arith.subi %parallel_loop3A_441, %parallel_loop3A_461 : i32
        %parallel_loop3A_463 = arith.select %parallel_loop3A_460, %parallel_loop3A_462, %parallel_loop3A_441 : i32
        %parallel_loop3A_464 = arith.constant 16 : i32
        %parallel_loop3A_465 = arith.muli %parallel_loop3A_463, %parallel_loop3A_464 : i32
        %parallel_loop3A_466 = arith.subi %parallel_loop3A_439, %parallel_loop3A_465 : i32
        %parallel_loop3A_467 = arith.constant 8 : i32
        %parallel_loop3A_468 = arith.divsi %parallel_loop3A_463, %parallel_loop3A_467 : i32
        %parallel_loop3A_469 = arith.constant 0 : i32
        %parallel_loop3A_470 = arith.cmpi sgt, %parallel_loop3A_463, %parallel_loop3A_469 : i32
        %parallel_loop3A_471 = arith.extui %parallel_loop3A_470 : i1 to i32
        %parallel_loop3A_472 = arith.constant 0 : i32
        %parallel_loop3A_473 = arith.cmpi slt, %parallel_loop3A_463, %parallel_loop3A_472 : i32
        %parallel_loop3A_474 = arith.extui %parallel_loop3A_473 : i1 to i32
        %parallel_loop3A_475 = arith.subi %parallel_loop3A_471, %parallel_loop3A_474 : i32
        %parallel_loop3A_476 = arith.constant 0 : i32
        %parallel_loop3A_477 = arith.cmpi sgt, %parallel_loop3A_467, %parallel_loop3A_476 : i32
        %parallel_loop3A_478 = arith.extui %parallel_loop3A_477 : i1 to i32
        %parallel_loop3A_479 = arith.constant 0 : i32
        %parallel_loop3A_480 = arith.cmpi slt, %parallel_loop3A_467, %parallel_loop3A_479 : i32
        %parallel_loop3A_481 = arith.extui %parallel_loop3A_480 : i1 to i32
        %parallel_loop3A_482 = arith.subi %parallel_loop3A_478, %parallel_loop3A_481 : i32
        %parallel_loop3A_483 = arith.cmpi ne, %parallel_loop3A_475, %parallel_loop3A_482 : i32
        %parallel_loop3A_484 = arith.remsi %parallel_loop3A_463, %parallel_loop3A_467 : i32
        %parallel_loop3A_485 = arith.constant 0 : i32
        %parallel_loop3A_486 = arith.cmpi ne, %parallel_loop3A_484, %parallel_loop3A_485 : i32
        %parallel_loop3A_487 = arith.andi %parallel_loop3A_483, %parallel_loop3A_486 : i1
        %parallel_loop3A_488 = arith.constant 1 : i32
        %parallel_loop3A_489 = arith.subi %parallel_loop3A_468, %parallel_loop3A_488 : i32
        %parallel_loop3A_490 = arith.select %parallel_loop3A_487, %parallel_loop3A_489, %parallel_loop3A_468 : i32
        %parallel_loop3A_491 = arith.constant 8 : i32
        %parallel_loop3A_492 = arith.muli %parallel_loop3A_490, %parallel_loop3A_491 : i32
        %parallel_loop3A_493 = arith.subi %parallel_loop3A_463, %parallel_loop3A_492 : i32
        %parallel_loop3A_494 = arith.constant 16 : i32
        %parallel_loop3A_495 = arith.muli %parallel_loop3A_490, %parallel_loop3A_494 : i32
        %parallel_loop3A_496 = arith.constant 16 : i32
        %parallel_loop3A_497 = arith.muli %parallel_loop3A_493, %parallel_loop3A_496 : i32
        %parallel_loop3A_498 = vector.broadcast %parallel_loop3A_466 : i32 to vector<16xi32>
        %parallel_loop3A_499 = arith.addi %iota3A, %parallel_loop3A_498 : vector<16xi32>
        %parallel_loop3A_500 = arith.constant 15 : i32
        %parallel_loop3A_501 = vector.broadcast %parallel_loop3A_500 : i32 to vector<16xi32>
        %parallel_loop3A_502 = arith.andi %parallel_loop3A_499, %parallel_loop3A_501 : vector<16xi32>
        %parallel_loop3A_503 = vector.broadcast %parallel_loop3A_495 : i32 to vector<16xi32>
        %parallel_loop3A_504 = arith.addi %parallel_loop3A_503, %iota3A : vector<16xi32>
        %parallel_loop3A_505 = vector.broadcast %parallel_loop3A_497 : i32 to vector<16xi32>
        %parallel_loop3A_506 = arith.addi %parallel_loop3A_505, %parallel_loop3A_502 : vector<16xi32>
        %parallel_loop3A_507 = tpu.vector_load_idx %arg10[%parallel_loop3A_504, %parallel_loop3A_506] : memref<128x128xf32, #tpu.memory_space<vmem>>[vector<16xi32>, vector<16xi32>], vector<16xf32>,
        %parallel_loop3A_508 = vector.broadcast %parallel_loop3A_497 : i32 to vector<16xi32>
        %parallel_loop3A_509 = arith.addi %parallel_loop3A_508, %parallel_loop3A_502 : vector<16xi32>
        %parallel_loop3A_510 = vector.broadcast %parallel_loop3A_495 : i32 to vector<16xi32>
        %parallel_loop3A_511 = arith.addi %parallel_loop3A_510, %iota3A : vector<16xi32>
        tpu.vector_store_idx %arg13[%parallel_loop3A_509, %parallel_loop3A_511], %parallel_loop3A_507 : memref<128x128xf32, #tpu.memory_space<vmem>>[vector<16xi32>, vector<16xi32>], vector<16xf32>,
      } {sc.loop_unroll_factor = 8 : i64, sc.parallel_access}
      %jit3A_284 = arith.constant 512 : i32
      %div3A_285 = arith.divsi %add3A_257, %jit3A_284 : i32
      %sign3A_286 = arith.constant 0 : i32
      %sign3A_287 = arith.cmpi sgt, %add3A_257, %sign3A_286 : i32
      %sign3A_288 = arith.extui %sign3A_287 : i1 to i32
      %sign3A_289 = arith.constant 0 : i32
      %sign3A_290 = arith.cmpi slt, %add3A_257, %sign3A_289 : i32
      %sign3A_291 = arith.extui %sign3A_290 : i1 to i32
      %sign3A_292 = arith.subi %sign3A_288, %sign3A_291 : i32
      %sign3A_293 = arith.constant 0 : i32
      %sign3A_294 = arith.cmpi sgt, %jit3A_284, %sign3A_293 : i32
      %sign3A_295 = arith.extui %sign3A_294 : i1 to i32
      %sign3A_296 = arith.constant 0 : i32
      %sign3A_297 = arith.cmpi slt, %jit3A_284, %sign3A_296 : i32
      %sign3A_298 = arith.extui %sign3A_297 : i1 to i32
      %sign3A_299 = arith.subi %sign3A_295, %sign3A_298 : i32
      %ne3A_300 = arith.cmpi ne, %sign3A_292, %sign3A_299 : i32
      %rem3A_301 = arith.remsi %add3A_257, %jit3A_284 : i32
      %ne3A_302 = arith.constant 0 : i32
      %ne3A_303 = arith.cmpi ne, %rem3A_301, %ne3A_302 : i32
      %and3A_304 = arith.andi %ne3A_300, %ne3A_303 : i1
      %sub3A_305 = arith.constant 1 : i32
      %sub3A_306 = arith.subi %div3A_285, %sub3A_305 : i32
      %select_n3A_307 = arith.select %and3A_304, %sub3A_306, %div3A_285 : i32
      %mul3A_308 = arith.constant 512 : i32
      %mul3A_309 = arith.muli %select_n3A_307, %mul3A_308 : i32
      %sub3A_310 = arith.subi %add3A_257, %mul3A_309 : i32
      %jit3A_311 = arith.constant 32 : i32
      %div3A_312 = arith.divsi %sub3A_310, %jit3A_311 : i32
      %sign3A_313 = arith.constant 0 : i32
      %sign3A_314 = arith.cmpi sgt, %sub3A_310, %sign3A_313 : i32
      %sign3A_315 = arith.extui %sign3A_314 : i1 to i32
      %sign3A_316 = arith.constant 0 : i32
      %sign3A_317 = arith.cmpi slt, %sub3A_310, %sign3A_316 : i32
      %sign3A_318 = arith.extui %sign3A_317 : i1 to i32
      %sign3A_319 = arith.subi %sign3A_315, %sign3A_318 : i32
      %sign3A_320 = arith.constant 0 : i32
      %sign3A_321 = arith.cmpi sgt, %jit3A_311, %sign3A_320 : i32
      %sign3A_322 = arith.extui %sign3A_321 : i1 to i32
      %sign3A_323 = arith.constant 0 : i32
      %sign3A_324 = arith.cmpi slt, %jit3A_311, %sign3A_323 : i32
      %sign3A_325 = arith.extui %sign3A_324 : i1 to i32
      %sign3A_326 = arith.subi %sign3A_322, %sign3A_325 : i32
      %ne3A_327 = arith.cmpi ne, %sign3A_319, %sign3A_326 : i32
      %rem3A_328 = arith.remsi %sub3A_310, %jit3A_311 : i32
      %ne3A_329 = arith.constant 0 : i32
      %ne3A_330 = arith.cmpi ne, %rem3A_328, %ne3A_329 : i32
      %and3A_331 = arith.andi %ne3A_327, %ne3A_330 : i1
      %sub3A_332 = arith.constant 1 : i32
      %sub3A_333 = arith.subi %div3A_312, %sub3A_332 : i32
      %select_n3A_334 = arith.select %and3A_331, %sub3A_333, %div3A_312 : i32
      %mul3A_335 = arith.constant 32 : i32
      %mul3A_336 = arith.muli %select_n3A_334, %mul3A_335 : i32
      %sub3A_337 = arith.subi %sub3A_310, %mul3A_336 : i32
      %mul3A_338 = arith.constant 128 : i32
      %mul3A_339 = arith.muli %select_n3A_334, %mul3A_338 : i32
      %mul3A_340 = arith.constant 128 : i32
      %mul3A_341 = arith.muli %sub3A_337, %mul3A_340 : i32
      %dma_start3A_342 = tpu.memref_slice %arg4[%select_n3A_307, %mul3A_339, %mul3A_341] : memref<3x2048x4096xf32, #tpu.memory_space<hbm>> -> memref<1x128x128xf32, #tpu.memory_space<hbm>>
      %dma_start3A_343 = tpu.memref_squeeze %dma_start3A_342 : memref<1x128x128xf32, #tpu.memory_space<hbm>> -> memref<128x128xf32, #tpu.memory_space<hbm>>
      %dma_start3A_344 = tpu.memref_slice %arg4[%select_n3A_307, %mul3A_339, %mul3A_341] : memref<3x2048x4096xf32, #tpu.memory_space<hbm>> -> memref<1x128x128xf32, #tpu.memory_space<hbm>>
      %dma_start3A_345 = tpu.memref_squeeze %dma_start3A_344 : memref<1x128x128xf32, #tpu.memory_space<hbm>> -> memref<128x128xf32, #tpu.memory_space<hbm>>
      tpu.enqueue_dma source(%arg13 : memref<128x128xf32, #tpu.memory_space<vmem>>) target(%dma_start3A_345 : memref<128x128xf32, #tpu.memory_space<hbm>>) target_semaphore(%arg19 : memref<!tpu.dma_semaphore, #tpu.memory_space<semaphore_mem>>)
      %mul3A_346 = arith.constant 3 : i32
      %mul3A_347 = arith.muli %scan3A_163, %mul3A_346 : i32
      %add3A_348 = arith.addi %mul3A_2, %mul3A_347 : i32
      %add3A_349 = arith.constant 2 : i32
      %add3A_350 = arith.addi %add3A_348, %add3A_349 : i32
      %mul3A_351 = arith.constant 3 : i32
      %mul3A_352 = arith.muli %scan3A_163, %mul3A_351 : i32
      %add3A_353 = arith.constant 2 : i32
      %add3A_354 = arith.addi %mul3A_352, %add3A_353 : i32
      %add3A_355 = arith.constant 2 : i32
      %add3A_356 = arith.addi %add3A_354, %add3A_355 : i32
      %lt3A_357 = arith.constant 48 : i32
      %lt3A_358 = arith.cmpi slt, %add3A_356, %lt3A_357 : i32
      %convert_element_type3A_359 = arith.extui %lt3A_358 : i1 to i32
      %cond3A_360 = arith.constant 0 : i32
      %cond3A_361 = arith.cmpi ne, %convert_element_type3A_359, %cond3A_360 : i32
      scf.if %cond3A_361 {
        %add3A_439 = arith.constant 2 : i32
        %add3A_440 = arith.addi %add3A_350, %add3A_439 : i32
        %jit3A_441 = arith.constant 512 : i32
        %div3A_442 = arith.divsi %add3A_440, %jit3A_441 : i32
        %sign3A_443 = arith.constant 0 : i32
        %sign3A_444 = arith.cmpi sgt, %add3A_440, %sign3A_443 : i32
        %sign3A_445 = arith.extui %sign3A_444 : i1 to i32
        %sign3A_446 = arith.constant 0 : i32
        %sign3A_447 = arith.cmpi slt, %add3A_440, %sign3A_446 : i32
        %sign3A_448 = arith.extui %sign3A_447 : i1 to i32
        %sign3A_449 = arith.subi %sign3A_445, %sign3A_448 : i32
        %sign3A_450 = arith.constant 0 : i32
        %sign3A_451 = arith.cmpi sgt, %jit3A_441, %sign3A_450 : i32
        %sign3A_452 = arith.extui %sign3A_451 : i1 to i32
        %sign3A_453 = arith.constant 0 : i32
        %sign3A_454 = arith.cmpi slt, %jit3A_441, %sign3A_453 : i32
        %sign3A_455 = arith.extui %sign3A_454 : i1 to i32
        %sign3A_456 = arith.subi %sign3A_452, %sign3A_455 : i32
        %ne3A_457 = arith.cmpi ne, %sign3A_449, %sign3A_456 : i32
        %rem3A_458 = arith.remsi %add3A_440, %jit3A_441 : i32
        %ne3A_459 = arith.constant 0 : i32
        %ne3A_460 = arith.cmpi ne, %rem3A_458, %ne3A_459 : i32
        %and3A_461 = arith.andi %ne3A_457, %ne3A_460 : i1
        %sub3A_462 = arith.constant 1 : i32
        %sub3A_463 = arith.subi %div3A_442, %sub3A_462 : i32
        %select_n3A_464 = arith.select %and3A_461, %sub3A_463, %div3A_442 : i32
        %mul3A_465 = arith.constant 512 : i32
        %mul3A_466 = arith.muli %select_n3A_464, %mul3A_465 : i32
        %sub3A_467 = arith.subi %add3A_440, %mul3A_466 : i32
        %jit3A_468 = arith.constant 32 : i32
        %div3A_469 = arith.divsi %sub3A_467, %jit3A_468 : i32
        %sign3A_470 = arith.constant 0 : i32
        %sign3A_471 = arith.cmpi sgt, %sub3A_467, %sign3A_470 : i32
        %sign3A_472 = arith.extui %sign3A_471 : i1 to i32
        %sign3A_473 = arith.constant 0 : i32
        %sign3A_474 = arith.cmpi slt, %sub3A_467, %sign3A_473 : i32
        %sign3A_475 = arith.extui %sign3A_474 : i1 to i32
        %sign3A_476 = arith.subi %sign3A_472, %sign3A_475 : i32
        %sign3A_477 = arith.constant 0 : i32
        %sign3A_478 = arith.cmpi sgt, %jit3A_468, %sign3A_477 : i32
        %sign3A_479 = arith.extui %sign3A_478 : i1 to i32
        %sign3A_480 = arith.constant 0 : i32
        %sign3A_481 = arith.cmpi slt, %jit3A_468, %sign3A_480 : i32
        %sign3A_482 = arith.extui %sign3A_481 : i1 to i32
        %sign3A_483 = arith.subi %sign3A_479, %sign3A_482 : i32
        %ne3A_484 = arith.cmpi ne, %sign3A_476, %sign3A_483 : i32
        %rem3A_485 = arith.remsi %sub3A_467, %jit3A_468 : i32
        %ne3A_486 = arith.constant 0 : i32
        %ne3A_487 = arith.cmpi ne, %rem3A_485, %ne3A_486 : i32
        %and3A_488 = arith.andi %ne3A_484, %ne3A_487 : i1
        %sub3A_489 = arith.constant 1 : i32
        %sub3A_490 = arith.subi %div3A_469, %sub3A_489 : i32
        %select_n3A_491 = arith.select %and3A_488, %sub3A_490, %div3A_469 : i32
        %mul3A_492 = arith.constant 32 : i32
        %mul3A_493 = arith.muli %select_n3A_491, %mul3A_492 : i32
        %sub3A_494 = arith.subi %sub3A_467, %mul3A_493 : i32
        %mul3A_495 = arith.constant 65536 : i32
        %mul3A_496 = arith.muli %select_n3A_464, %mul3A_495 : i32
        %mul3A_497 = arith.constant 8 : i32
        %mul3A_498 = arith.muli %select_n3A_491, %mul3A_497 : i32
        %add3A_499 = arith.addi %mul3A_496, %mul3A_498 : i32
        %mul3A_500 = arith.constant 128 : i32
        %mul3A_501 = arith.muli %sub3A_494, %mul3A_500 : i32
        %parallel_loop3A_502 = arith.constant 0 : i32
        %parallel_loop3A_503 = arith.constant 8 : i32
        %parallel_loop3A_504 = arith.constant 1 : i32
        scf.for %parallel_loop3A_508 = %parallel_loop3A_502 to %parallel_loop3A_503 step %parallel_loop3A_504  : i32 {
          %parallel_loop3A_509 = arith.constant 16 : i32
          %parallel_loop3A_510 = arith.muli %parallel_loop3A_508, %parallel_loop3A_509 : i32
          %parallel_loop3A_511 = arith.addi %mul3A_501, %parallel_loop3A_510 : i32
          %parallel_loop3A_512 = arith.index_cast %parallel_loop3A_511 : i32 to index
          %parallel_loop3A_513 = tpu.vector_load %arg5[%parallel_loop3A_512] {strides = array<i32>} : memref<4096xi32, #tpu.memory_space<vmem>>, vector<16xi32>,
          %parallel_loop3A_514 = vector.broadcast %add3A_499 : i32 to vector<16xi32>
          %parallel_loop3A_515 = arith.addi %parallel_loop3A_513, %parallel_loop3A_514 : vector<16xi32>
          %parallel_loop3A_516 = arith.constant 16 : i32
          %parallel_loop3A_517 = arith.muli %parallel_loop3A_508, %parallel_loop3A_516 : i32
          %parallel_loop3A_518 = arith.index_cast %parallel_loop3A_517 : i32 to index
          %parallel_loop3A_519 = tpu.vector_load %arg7[%parallel_loop3A_518] {strides = array<i32>} : memref<128xi32, #tpu.memory_space<vmem>>, vector<16xi32>,
          tpu.vector_store %arg7[%parallel_loop3A_518], %parallel_loop3A_515 {strides = array<i32>} : memref<128xi32, #tpu.memory_space<vmem>>, vector<16xi32>,
        } {sc.loop_unroll_factor = 4 : i64, sc.parallel_access}
        %dma_start3A_505 = arith.constant 0 : i32
        %dma_start3A_506 = arith.constant 0 : i32
        %dma_start3A_507 = tpu.memref_slice %arg2[%dma_start3A_505, %dma_start3A_506] : memref<196608x128xf32, #tpu.memory_space<hbm>> -> memref<196608x128xf32, #tpu.memory_space<hbm>>
        tpu.enqueue_indirect_dma source(%dma_start3A_507 : memref<196608x128xf32, #tpu.memory_space<hbm>>) target(%arg10 : memref<128x128xf32, #tpu.memory_space<vmem>>) offsets(%arg7 : memref<128xi32, #tpu.memory_space<vmem>>) semaphore(%arg16 : memref<!tpu.dma_semaphore, #tpu.memory_space<semaphore_mem>>)
      } else {
      }
      %dma_wait3A_362 = arith.constant 0 : i32
      %dma_wait3A_363 = arith.constant 0 : i32
      %dma_wait3A_364 = tpu.memref_slice %arg2[%dma_wait3A_362, %dma_wait3A_363] : memref<196608x128xf32, #tpu.memory_space<hbm>> -> memref<196608x128xf32, #tpu.memory_space<hbm>>
      tpu.wait_indirect_dma semaphore(%arg17 : memref<!tpu.dma_semaphore, #tpu.memory_space<semaphore_mem>>) src(%dma_wait3A_364 : memref<196608x128xf32, #tpu.memory_space<hbm>>) dst(%arg11 : memref<128x128xf32, #tpu.memory_space<vmem>>)
      %mul3A_365 = arith.constant 3 : i32
      %mul3A_366 = arith.muli %scan3A_163, %mul3A_365 : i32
      %add3A_367 = arith.constant 2 : i32
      %add3A_368 = arith.addi %mul3A_366, %add3A_367 : i32
      %ge3A_369 = arith.constant 3 : i32
      %ge3A_370 = arith.cmpi sge, %add3A_368, %ge3A_369 : i32
      %convert_element_type3A_371 = arith.extui %ge3A_370 : i1 to i32
      %cond3A_372 = arith.constant 0 : i32
      %cond3A_373 = arith.cmpi ne, %convert_element_type3A_371, %cond3A_372 : i32
      scf.if %cond3A_373 {
        %dma_wait3A_439 = arith.constant 0 : i32
        %dma_wait3A_440 = arith.constant 0 : i32
        %dma_wait3A_441 = arith.constant 0 : i32
        %dma_wait3A_442 = tpu.memref_slice %arg4[%dma_wait3A_439, %dma_wait3A_440, %dma_wait3A_441] : memref<3x2048x4096xf32, #tpu.memory_space<hbm>> -> memref<1x128x128xf32, #tpu.memory_space<hbm>>
        %dma_wait3A_443 = tpu.memref_squeeze %dma_wait3A_442 : memref<1x128x128xf32, #tpu.memory_space<hbm>> -> memref<128x128xf32, #tpu.memory_space<hbm>>
        %dma_wait3A_444 = arith.constant 0 : i32
        %dma_wait3A_445 = arith.constant 0 : i32
        %dma_wait3A_446 = tpu.memref_slice %arg4[%dma_wait3A_439, %dma_wait3A_444, %dma_wait3A_445] : memref<3x2048x4096xf32, #tpu.memory_space<hbm>> -> memref<1x128x128xf32, #tpu.memory_space<hbm>>
        %dma_wait3A_447 = tpu.memref_squeeze %dma_wait3A_446 : memref<1x128x128xf32, #tpu.memory_space<hbm>> -> memref<128x128xf32, #tpu.memory_space<hbm>>
        tpu.wait_dma2 semaphore(%arg20 : memref<!tpu.dma_semaphore, #tpu.memory_space<semaphore_mem>>) src(%arg14 : memref<128x128xf32, #tpu.memory_space<vmem>>) dst(%dma_wait3A_447 : memref<128x128xf32, #tpu.memory_space<hbm>>)
      } else {
      }
      %parallel_loop3A_374 = arith.constant 0 : i32
      %parallel_loop3A_375 = arith.constant 1024 : i32
      %parallel_loop3A_376 = arith.constant 1 : i32
      scf.for %parallel_loop3A_439 = %parallel_loop3A_374 to %parallel_loop3A_375 step %parallel_loop3A_376  : i32 {
        %parallel_loop3A_440 = arith.constant 16 : i32
        %parallel_loop3A_441 = arith.divsi %parallel_loop3A_439, %parallel_loop3A_440 : i32
        %parallel_loop3A_442 = arith.constant 0 : i32
        %parallel_loop3A_443 = arith.cmpi sgt, %parallel_loop3A_439, %parallel_loop3A_442 : i32
        %parallel_loop3A_444 = arith.extui %parallel_loop3A_443 : i1 to i32
        %parallel_loop3A_445 = arith.constant 0 : i32
        %parallel_loop3A_446 = arith.cmpi slt, %parallel_loop3A_439, %parallel_loop3A_445 : i32
        %parallel_loop3A_447 = arith.extui %parallel_loop3A_446 : i1 to i32
        %parallel_loop3A_448 = arith.subi %parallel_loop3A_444, %parallel_loop3A_447 : i32
        %parallel_loop3A_449 = arith.constant 0 : i32
        %parallel_loop3A_450 = arith.cmpi sgt, %parallel_loop3A_440, %parallel_loop3A_449 : i32
        %parallel_loop3A_451 = arith.extui %parallel_loop3A_450 : i1 to i32
        %parallel_loop3A_452 = arith.constant 0 : i32
        %parallel_loop3A_453 = arith.cmpi slt, %parallel_loop3A_440, %parallel_loop3A_452 : i32
        %parallel_loop3A_454 = arith.extui %parallel_loop3A_453 : i1 to i32
        %parallel_loop3A_455 = arith.subi %parallel_loop3A_451, %parallel_loop3A_454 : i32
        %parallel_loop3A_456 = arith.cmpi ne, %parallel_loop3A_448, %parallel_loop3A_455 : i32
        %parallel_loop3A_457 = arith.remsi %parallel_loop3A_439, %parallel_loop3A_440 : i32
        %parallel_loop3A_458 = arith.constant 0 : i32
        %parallel_loop3A_459 = arith.cmpi ne, %parallel_loop3A_457, %parallel_loop3A_458 : i32
        %parallel_loop3A_460 = arith.andi %parallel_loop3A_456, %parallel_loop3A_459 : i1
        %parallel_loop3A_461 = arith.constant 1 : i32
        %parallel_loop3A_462 = arith.subi %parallel_loop3A_441, %parallel_loop3A_461 : i32
        %parallel_loop3A_463 = arith.select %parallel_loop3A_460, %parallel_loop3A_462, %parallel_loop3A_441 : i32
        %parallel_loop3A_464 = arith.constant 16 : i32
        %parallel_loop3A_465 = arith.muli %parallel_loop3A_463, %parallel_loop3A_464 : i32
        %parallel_loop3A_466 = arith.subi %parallel_loop3A_439, %parallel_loop3A_465 : i32
        %parallel_loop3A_467 = arith.constant 8 : i32
        %parallel_loop3A_468 = arith.divsi %parallel_loop3A_463, %parallel_loop3A_467 : i32
        %parallel_loop3A_469 = arith.constant 0 : i32
        %parallel_loop3A_470 = arith.cmpi sgt, %parallel_loop3A_463, %parallel_loop3A_469 : i32
        %parallel_loop3A_471 = arith.extui %parallel_loop3A_470 : i1 to i32
        %parallel_loop3A_472 = arith.constant 0 : i32
        %parallel_loop3A_473 = arith.cmpi slt, %parallel_loop3A_463, %parallel_loop3A_472 : i32
        %parallel_loop3A_474 = arith.extui %parallel_loop3A_473 : i1 to i32
        %parallel_loop3A_475 = arith.subi %parallel_loop3A_471, %parallel_loop3A_474 : i32
        %parallel_loop3A_476 = arith.constant 0 : i32
        %parallel_loop3A_477 = arith.cmpi sgt, %parallel_loop3A_467, %parallel_loop3A_476 : i32
        %parallel_loop3A_478 = arith.extui %parallel_loop3A_477 : i1 to i32
        %parallel_loop3A_479 = arith.constant 0 : i32
        %parallel_loop3A_480 = arith.cmpi slt, %parallel_loop3A_467, %parallel_loop3A_479 : i32
        %parallel_loop3A_481 = arith.extui %parallel_loop3A_480 : i1 to i32
        %parallel_loop3A_482 = arith.subi %parallel_loop3A_478, %parallel_loop3A_481 : i32
        %parallel_loop3A_483 = arith.cmpi ne, %parallel_loop3A_475, %parallel_loop3A_482 : i32
        %parallel_loop3A_484 = arith.remsi %parallel_loop3A_463, %parallel_loop3A_467 : i32
        %parallel_loop3A_485 = arith.constant 0 : i32
        %parallel_loop3A_486 = arith.cmpi ne, %parallel_loop3A_484, %parallel_loop3A_485 : i32
        %parallel_loop3A_487 = arith.andi %parallel_loop3A_483, %parallel_loop3A_486 : i1
        %parallel_loop3A_488 = arith.constant 1 : i32
        %parallel_loop3A_489 = arith.subi %parallel_loop3A_468, %parallel_loop3A_488 : i32
        %parallel_loop3A_490 = arith.select %parallel_loop3A_487, %parallel_loop3A_489, %parallel_loop3A_468 : i32
        %parallel_loop3A_491 = arith.constant 8 : i32
        %parallel_loop3A_492 = arith.muli %parallel_loop3A_490, %parallel_loop3A_491 : i32
        %parallel_loop3A_493 = arith.subi %parallel_loop3A_463, %parallel_loop3A_492 : i32
        %parallel_loop3A_494 = arith.constant 16 : i32
        %parallel_loop3A_495 = arith.muli %parallel_loop3A_490, %parallel_loop3A_494 : i32
        %parallel_loop3A_496 = arith.constant 16 : i32
        %parallel_loop3A_497 = arith.muli %parallel_loop3A_493, %parallel_loop3A_496 : i32
        %parallel_loop3A_498 = vector.broadcast %parallel_loop3A_466 : i32 to vector<16xi32>
        %parallel_loop3A_499 = arith.addi %iota3A, %parallel_loop3A_498 : vector<16xi32>
        %parallel_loop3A_500 = arith.constant 15 : i32
        %parallel_loop3A_501 = vector.broadcast %parallel_loop3A_500 : i32 to vector<16xi32>
        %parallel_loop3A_502 = arith.andi %parallel_loop3A_499, %parallel_loop3A_501 : vector<16xi32>
        %parallel_loop3A_503 = vector.broadcast %parallel_loop3A_495 : i32 to vector<16xi32>
        %parallel_loop3A_504 = arith.addi %parallel_loop3A_503, %iota3A : vector<16xi32>
        %parallel_loop3A_505 = vector.broadcast %parallel_loop3A_497 : i32 to vector<16xi32>
        %parallel_loop3A_506 = arith.addi %parallel_loop3A_505, %parallel_loop3A_502 : vector<16xi32>
        %parallel_loop3A_507 = tpu.vector_load_idx %arg11[%parallel_loop3A_504, %parallel_loop3A_506] : memref<128x128xf32, #tpu.memory_space<vmem>>[vector<16xi32>, vector<16xi32>], vector<16xf32>,
        %parallel_loop3A_508 = vector.broadcast %parallel_loop3A_497 : i32 to vector<16xi32>
        %parallel_loop3A_509 = arith.addi %parallel_loop3A_508, %parallel_loop3A_502 : vector<16xi32>
        %parallel_loop3A_510 = vector.broadcast %parallel_loop3A_495 : i32 to vector<16xi32>
        %parallel_loop3A_511 = arith.addi %parallel_loop3A_510, %iota3A : vector<16xi32>
        tpu.vector_store_idx %arg14[%parallel_loop3A_509, %parallel_loop3A_511], %parallel_loop3A_507 : memref<128x128xf32, #tpu.memory_space<vmem>>[vector<16xi32>, vector<16xi32>], vector<16xf32>,
      } {sc.loop_unroll_factor = 8 : i64, sc.parallel_access}
      %jit3A_377 = arith.constant 512 : i32
      %div3A_378 = arith.divsi %add3A_350, %jit3A_377 : i32
      %sign3A_379 = arith.constant 0 : i32
      %sign3A_380 = arith.cmpi sgt, %add3A_350, %sign3A_379 : i32
      %sign3A_381 = arith.extui %sign3A_380 : i1 to i32
      %sign3A_382 = arith.constant 0 : i32
      %sign3A_383 = arith.cmpi slt, %add3A_350, %sign3A_382 : i32
      %sign3A_384 = arith.extui %sign3A_383 : i1 to i32
      %sign3A_385 = arith.subi %sign3A_381, %sign3A_384 : i32
      %sign3A_386 = arith.constant 0 : i32
      %sign3A_387 = arith.cmpi sgt, %jit3A_377, %sign3A_386 : i32
      %sign3A_388 = arith.extui %sign3A_387 : i1 to i32
      %sign3A_389 = arith.constant 0 : i32
      %sign3A_390 = arith.cmpi slt, %jit3A_377, %sign3A_389 : i32
      %sign3A_391 = arith.extui %sign3A_390 : i1 to i32
      %sign3A_392 = arith.subi %sign3A_388, %sign3A_391 : i32
      %ne3A_393 = arith.cmpi ne, %sign3A_385, %sign3A_392 : i32
      %rem3A_394 = arith.remsi %add3A_350, %jit3A_377 : i32
      %ne3A_395 = arith.constant 0 : i32
      %ne3A_396 = arith.cmpi ne, %rem3A_394, %ne3A_395 : i32
      %and3A_397 = arith.andi %ne3A_393, %ne3A_396 : i1
      %sub3A_398 = arith.constant 1 : i32
      %sub3A_399 = arith.subi %div3A_378, %sub3A_398 : i32
      %select_n3A_400 = arith.select %and3A_397, %sub3A_399, %div3A_378 : i32
      %mul3A_401 = arith.constant 512 : i32
      %mul3A_402 = arith.muli %select_n3A_400, %mul3A_401 : i32
      %sub3A_403 = arith.subi %add3A_350, %mul3A_402 : i32
      %jit3A_404 = arith.constant 32 : i32
      %div3A_405 = arith.divsi %sub3A_403, %jit3A_404 : i32
      %sign3A_406 = arith.constant 0 : i32
      %sign3A_407 = arith.cmpi sgt, %sub3A_403, %sign3A_406 : i32
      %sign3A_408 = arith.extui %sign3A_407 : i1 to i32
      %sign3A_409 = arith.constant 0 : i32
      %sign3A_410 = arith.cmpi slt, %sub3A_403, %sign3A_409 : i32
      %sign3A_411 = arith.extui %sign3A_410 : i1 to i32
      %sign3A_412 = arith.subi %sign3A_408, %sign3A_411 : i32
      %sign3A_413 = arith.constant 0 : i32
      %sign3A_414 = arith.cmpi sgt, %jit3A_404, %sign3A_413 : i32
      %sign3A_415 = arith.extui %sign3A_414 : i1 to i32
      %sign3A_416 = arith.constant 0 : i32
      %sign3A_417 = arith.cmpi slt, %jit3A_404, %sign3A_416 : i32
      %sign3A_418 = arith.extui %sign3A_417 : i1 to i32
      %sign3A_419 = arith.subi %sign3A_415, %sign3A_418 : i32
      %ne3A_420 = arith.cmpi ne, %sign3A_412, %sign3A_419 : i32
      %rem3A_421 = arith.remsi %sub3A_403, %jit3A_404 : i32
      %ne3A_422 = arith.constant 0 : i32
      %ne3A_423 = arith.cmpi ne, %rem3A_421, %ne3A_422 : i32
      %and3A_424 = arith.andi %ne3A_420, %ne3A_423 : i1
      %sub3A_425 = arith.constant 1 : i32
      %sub3A_426 = arith.subi %div3A_405, %sub3A_425 : i32
      %select_n3A_427 = arith.select %and3A_424, %sub3A_426, %div3A_405 : i32
      %mul3A_428 = arith.constant 32 : i32
      %mul3A_429 = arith.muli %select_n3A_427, %mul3A_428 : i32
      %sub3A_430 = arith.subi %sub3A_403, %mul3A_429 : i32
      %mul3A_431 = arith.constant 128 : i32
      %mul3A_432 = arith.muli %select_n3A_427, %mul3A_431 : i32
      %mul3A_433 = arith.constant 128 : i32
      %mul3A_434 = arith.muli %sub3A_430, %mul3A_433 : i32
      %dma_start3A_435 = tpu.memref_slice %arg4[%select_n3A_400, %mul3A_432, %mul3A_434] : memref<3x2048x4096xf32, #tpu.memory_space<hbm>> -> memref<1x128x128xf32, #tpu.memory_space<hbm>>
      %dma_start3A_436 = tpu.memref_squeeze %dma_start3A_435 : memref<1x128x128xf32, #tpu.memory_space<hbm>> -> memref<128x128xf32, #tpu.memory_space<hbm>>
      %dma_start3A_437 = tpu.memref_slice %arg4[%select_n3A_400, %mul3A_432, %mul3A_434] : memref<3x2048x4096xf32, #tpu.memory_space<hbm>> -> memref<1x128x128xf32, #tpu.memory_space<hbm>>
      %dma_start3A_438 = tpu.memref_squeeze %dma_start3A_437 : memref<1x128x128xf32, #tpu.memory_space<hbm>> -> memref<128x128xf32, #tpu.memory_space<hbm>>
      tpu.enqueue_dma source(%arg14 : memref<128x128xf32, #tpu.memory_space<vmem>>) target(%dma_start3A_438 : memref<128x128xf32, #tpu.memory_space<hbm>>) target_semaphore(%arg20 : memref<!tpu.dma_semaphore, #tpu.memory_space<semaphore_mem>>)
    }
    %scan3A_136 = arith.constant 16 : i32
    %dma_wait3A = arith.constant 0 : i32
    %dma_wait3A_137 = arith.constant 0 : i32
    %dma_wait3A_138 = arith.constant 0 : i32
    %dma_wait3A_139 = tpu.memref_slice %arg4[%dma_wait3A, %dma_wait3A_137, %dma_wait3A_138] : memref<3x2048x4096xf32, #tpu.memory_space<hbm>> -> memref<1x128x128xf32, #tpu.memory_space<hbm>>
    %dma_wait3A_140 = tpu.memref_squeeze %dma_wait3A_139 : memref<1x128x128xf32, #tpu.memory_space<hbm>> -> memref<128x128xf32, #tpu.memory_space<hbm>>
    %dma_wait3A_141 = arith.constant 0 : i32
    %dma_wait3A_142 = arith.constant 0 : i32
    %dma_wait3A_143 = tpu.memref_slice %arg4[%dma_wait3A, %dma_wait3A_141, %dma_wait3A_142] : memref<3x2048x4096xf32, #tpu.memory_space<hbm>> -> memref<1x128x128xf32, #tpu.memory_space<hbm>>
    %dma_wait3A_144 = tpu.memref_squeeze %dma_wait3A_143 : memref<1x128x128xf32, #tpu.memory_space<hbm>> -> memref<128x128xf32, #tpu.memory_space<hbm>>
    tpu.wait_dma2 semaphore(%arg18 : memref<!tpu.dma_semaphore, #tpu.memory_space<semaphore_mem>>) src(%arg12 : memref<128x128xf32, #tpu.memory_space<vmem>>) dst(%dma_wait3A_144 : memref<128x128xf32, #tpu.memory_space<hbm>>)
    %dma_wait3A_145 = arith.constant 0 : i32
    %dma_wait3A_146 = arith.constant 0 : i32
    %dma_wait3A_147 = arith.constant 0 : i32
    %dma_wait3A_148 = tpu.memref_slice %arg4[%dma_wait3A_145, %dma_wait3A_146, %dma_wait3A_147] : memref<3x2048x4096xf32, #tpu.memory_space<hbm>> -> memref<1x128x128xf32, #tpu.memory_space<hbm>>
    %dma_wait3A_149 = tpu.memref_squeeze %dma_wait3A_148 : memref<1x128x128xf32, #tpu.memory_space<hbm>> -> memref<128x128xf32, #tpu.memory_space<hbm>>
    %dma_wait3A_150 = arith.constant 0 : i32
    %dma_wait3A_151 = arith.constant 0 : i32
    %dma_wait3A_152 = tpu.memref_slice %arg4[%dma_wait3A_145, %dma_wait3A_150, %dma_wait3A_151] : memref<3x2048x4096xf32, #tpu.memory_space<hbm>> -> memref<1x128x128xf32, #tpu.memory_space<hbm>>
    %dma_wait3A_153 = tpu.memref_squeeze %dma_wait3A_152 : memref<1x128x128xf32, #tpu.memory_space<hbm>> -> memref<128x128xf32, #tpu.memory_space<hbm>>
    tpu.wait_dma2 semaphore(%arg19 : memref<!tpu.dma_semaphore, #tpu.memory_space<semaphore_mem>>) src(%arg13 : memref<128x128xf32, #tpu.memory_space<vmem>>) dst(%dma_wait3A_153 : memref<128x128xf32, #tpu.memory_space<hbm>>)
    %dma_wait3A_154 = arith.constant 0 : i32
    %dma_wait3A_155 = arith.constant 0 : i32
    %dma_wait3A_156 = arith.constant 0 : i32
    %dma_wait3A_157 = tpu.memref_slice %arg4[%dma_wait3A_154, %dma_wait3A_155, %dma_wait3A_156] : memref<3x2048x4096xf32, #tpu.memory_space<hbm>> -> memref<1x128x128xf32, #tpu.memory_space<hbm>>
    %dma_wait3A_158 = tpu.memref_squeeze %dma_wait3A_157 : memref<1x128x128xf32, #tpu.memory_space<hbm>> -> memref<128x128xf32, #tpu.memory_space<hbm>>
    %dma_wait3A_159 = arith.constant 0 : i32
    %dma_wait3A_160 = arith.constant 0 : i32
    %dma_wait3A_161 = tpu.memref_slice %arg4[%dma_wait3A_154, %dma_wait3A_159, %dma_wait3A_160] : memref<3x2048x4096xf32, #tpu.memory_space<hbm>> -> memref<1x128x128xf32, #tpu.memory_space<hbm>>
    %dma_wait3A_162 = tpu.memref_squeeze %dma_wait3A_161 : memref<1x128x128xf32, #tpu.memory_space<hbm>> -> memref<128x128xf32, #tpu.memory_space<hbm>>
    tpu.wait_dma2 semaphore(%arg20 : memref<!tpu.dma_semaphore, #tpu.memory_space<semaphore_mem>>) src(%arg14 : memref<128x128xf32, #tpu.memory_space<vmem>>) dst(%dma_wait3A_162 : memref<128x128xf32, #tpu.memory_space<hbm>>)
    return
  }
}

</mosaic_0001>

<sc_bundles>
// kernel: kernel.3.cloned.1.call-start
scs
__scs_entry_jumppad:
0x0: {  	(pc) =	sbr.rel $0x88, $3  }
0x1: {  	(tag) =	ssettag $0x0;
	lr =	simm.s32 $0x1  }
0x2: {  	[smem:$0x3F9F] =	sst lr;
	_ =	strace $0xD0000000  }
0x3: {  	_ = 	snop  }
0x4: {  	_ = 	snop  }
0x5: {  	_ = 	snop  }
0x6: {  	_ = 	snop  }
0x7: {  	_ = 	snop  }
__scs_overlays_trampoline_lowered:
0x8: {  	[smem:$0x3FAE] =	sst s0  }
0x9: {  	[smem:$0x3FAF] =	sst s1  }
0xa: {  	[smem:$0x3FB0] =	sst s2  }
0xb: {  	[smem:$0x3FB1] =	sst s3  }
0xc: {  	[smem:$0x3FB2] =	sst s4  }
0xd: {  	[smem:$0x3FB3] =	sst s5  }
0xe: {  	[smem:$0x3FB4] =	sst s6  }
0xf: {  	[smem:$0x3FB5] =	sst s7  }
0x10: {  	[smem:$0x3FB6] =	sst s8  }
0x11: {  	[smem:$0x3FB7] =	sst s9;
	s0 =	simm.s32 @!p0 $0x0  }
0x12: {  	s1 =	sld [smem:$0x3F9D];
	s0 =	simm.s32 @p0 $0x1  }
0x13: {  	[smem:$0x3FB8] =	sst s0;
	s0 =	simm.s32 @!p1 $0x0  }
0x14: {  	s2 =	sld [smem:$0x3F9C];
	s0 =	simm.s32 @p1 $0x1  }
0x15: {  	[smem:$0x3FB9] =	sst s0;
	s0 =	simm.s32 @!p2 $0x0  }
0x16: {  	s3 =	sld [smem:$0x3FDB];
	s0 =	simm.s32 @p2 $0x1  }
0x17: {  	s4 =	simm.s32 $0x1BF5;
	[smem:$0x3FBB] =	sst s0  }
0x18: {  	s0 =	sld [smem:$0x3F9E];
	_ =	swait.ge [sflag:s4], $0x0  }
0x19: {  	s7 =	sld [smem:$0x3F9F]  }
0x1a: {  	s8 =	sadd.s32 $0xFFFFE003, lr  }
0x1b: {  	s9 =	sadd.s32 $0xFFFFFEF7, lr;
	s5 =	simm.s32 $0xFFFFFFFF;
	p2 =	slt.u32 s8, $0xFFFFF086  }
0x1c: {  	p1 =	slt.u32 s9, $0xF7A;
	s5 =	simm.s32 @!p2 $0x0  }
0x1d: {  	s5 =	simm.s32 @p1 $0x1;
	p0 =	seq.s32 s7, s2  }
0x1e: {  	s7 =	smul.u32 @!p0 $0xF7A, s2;
	p2 =	seq.s32 @!p0 s5, $0x0  }
0x1f: {  	s9 =	smul.u32 $0xF7A, s1;
	s8 =	simm.s32 @!p0 $0x1BF5;
	p2 =	por !p2, p0  }
0x20: {  	[sflag:s8] =	ssyncset.s32 @!p0 $0xFFFFF086;
	s6 =	sadd.s32 @!p0 s3, s7;
	s7 =	simm.s32 @!p0 $0x108  }
0x21: {  	s3 =	sadd.s32 s3, s9;
	s6 =	sadd.s32 @!p0 $0x88, s6;
	s7 =	simm.s32 @p2 $0x1082  }
0x22: {  	[simem:s7], [sflag:s8] =	dma.local @!p0 [hbm:s6], $0xF7A  }
0x23: {  	s9 =	sor.u32 $0xD0000000, s2;
	s6 =	simm.s32 $0x108;
	_ =	swait.ge @!p0 [sflag:s8], $0x0  }
0x24: {  	s3 =	sadd.s32 $0x88, s3;
	s6 =	simm.s32 @!p1 $0x1082;
	[sflag:s4] =	ssyncset.s32 $0xFFFFF086  }
0x25: {  	[simem:s6], [sflag:s4] =	dma.local [hbm:s3], $0xF7A  }
0x26: {  	[smem:$0x3F9F] =	sst s1;
	(tag) =	ssettag s2;
	_ =	strace s9  }
0x27: {  	s1 =	sld [smem:$0x3FAF]  }
0x28: {  	s2 =	sld [smem:$0x3FB0]  }
0x29: {  	s4 =	sld [smem:$0x3FB2]  }
0x2a: {  	p0 =	seq.s32 s5, $0x0;
	s5 =	sld [smem:$0x3FB3]  }
0x2b: {  	s6 =	sld [smem:$0x3FB4]  }
0x2c: {  	s7 =	sld [smem:$0x3FB5]  }
0x2d: {  	s3 =	simm.s32 $0x108;
	s8 =	sld [smem:$0x3FB6]  }
0x2e: {  	s3 =	simm.s32 @!p0 $0x1082;
	s9 =	sld [smem:$0x3FB7]  }
0x2f: {  	lr =	sadd.s32 s0, s3;
	s0 =	sld [smem:$0x3FAE]  }
0x30: {  	s3 =	sld [smem:$0x3FB1]  }
0x31: {  	[smem:$0x3FBA] =	sst s10  }
0x32: {  	s10 =	sld [smem:$0x3FB8];
	_ =	sdelay $0x3  }
0x33: {  	p0 =	seq.s32 s10, $0x1;
	s10 =	sld [smem:$0x3FBA];
	_ =	sdelay $0x3  }
0x34: {  	[smem:$0x3FBA] =	sst s10  }
0x35: {  	s10 =	sld [smem:$0x3FB9];
	_ =	sdelay $0x3  }
0x36: {  	p1 =	seq.s32 s10, $0x1;
	s10 =	sld [smem:$0x3FBA];
	_ =	sdelay $0x3  }
0x37: {  	[smem:$0x3FBA] =	sst s10  }
0x38: {  	s10 =	sld [smem:$0x3FBB]  }
0x39: {  	_ = 	snop;
	(pc) =	sbr.ind lr, $3  }
0x3a: {  	_ = 	snop  }
0x3b: {  	_ = 	snop  }
0x3c: {  	p2 =	seq.s32 s10, $0x1;
	s10 =	sld [smem:$0x3FBA]  }
0x3d: {  	_ =	shalt  }
0x3e: {  	_ =	shalt  }
0x3f: {  	_ =	shalt  }
0x40: {  	_ =	shalt  }
0x41: {  	_ =	shalt  }
0x42: {  	_ =	shalt  }
0x43: {  	_ =	shalt  }
0x44: {  	_ =	shalt  }
0x45: {  	_ =	shalt  }
0x46: {  	_ =	shalt  }
0x47: {  	_ =	shalt  }
0x48: {  	_ =	shalt  }
0x49: {  	_ =	shalt  }
0x4a: {  	_ =	shalt  }
0x4b: {  	_ =	shalt  }
0x4c: {  	_ =	shalt  }
0x4d: {  	_ =	shalt  }
0x4e: {  	_ =	shalt  }
0x4f: {  	_ =	shalt  }
0x50: {  	_ =	shalt  }
0x51: {  	_ =	shalt  }
0x52: {  	_ =	shalt  }
0x53: {  	_ =	shalt  }
0x54: {  	_ =	shalt  }
0x55: {  	_ =	shalt  }
0x56: {  	_ =	shalt  }
0x57: {  	_ =	shalt  }
0x58: {  	_ =	shalt  }
0x59: {  	_ =	shalt  }
0x5a: {  	_ =	shalt  }
0x5b: {  	_ =	shalt  }
0x5c: {  	_ =	shalt  }
0x5d: {  	_ =	shalt  }
0x5e: {  	_ =	shalt  }
0x5f: {  	_ =	shalt  }
0x60: {  	_ =	shalt  }
0x61: {  	_ =	shalt  }
0x62: {  	_ =	shalt  }
0x63: {  	_ =	shalt  }
0x64: {  	_ =	shalt  }
0x65: {  	_ =	shalt  }
0x66: {  	_ =	shalt  }
0x67: {  	_ =	shalt  }
0x68: {  	_ =	shalt  }
0x69: {  	_ =	shalt  }
0x6a: {  	_ =	shalt  }
0x6b: {  	_ =	shalt  }
0x6c: {  	_ =	shalt  }
0x6d: {  	_ =	shalt  }
0x6e: {  	_ =	shalt  }
0x6f: {  	_ =	shalt  }
0x70: {  	_ =	shalt  }
0x71: {  	_ =	shalt  }
0x72: {  	_ =	shalt  }
0x73: {  	_ =	shalt  }
0x74: {  	_ =	shalt  }
0x75: {  	_ =	shalt  }
0x76: {  	_ =	shalt  }
0x77: {  	_ =	shalt  }
0x78: {  	_ =	shalt  }
0x79: {  	_ =	shalt  }
0x7a: {  	_ =	shalt  }
0x7b: {  	_ =	shalt  }
0x7c: {  	_ =	shalt  }
0x7d: {  	_ =	shalt  }
0x7e: {  	_ =	shalt  }
0x7f: {  	_ =	shalt  }
0x80: {  	_ =	shalt  }
0x81: {  	_ =	shalt  }
0x82: {  	_ =	shalt  }
0x83: {  	_ =	shalt  }
0x84: {  	_ =	shalt  }
0x85: {  	_ =	shalt  }
0x86: {  	_ =	shalt  }
0x87: {  	_ =	shalt  }
.Lfunc_end0:
.L_simem_size_0:
called_computation_lowered:
.L_overlay_start_0:
0x88: {  	s2 =	sld [smem:$0x3FD9]  }
0x89: {  	s3 =	sld [smem:$0x3FFE];
	_ =	sdelay $0x1  }
0x8a: {  	s1 =	srdreg.scid  }
0x8b: {  	s0 =	sand.u32 $0x1, s1  }
0x8c: {  	s18 =	sshll.u32 s0, $0xA;
	s2 =	sadd.s32 s3, s2  }
0x8d: {  	s2 =	sadd.s32 s2, s18  }
0x8e: {  	[smem:$0x3FC6] =	sst s2  }
0x8f: {  	_ = 	snop  }
0x90: {  	s2 =	sld [smem:$0x3FC9]  }
0x91: {  	s19 =	sld [smem:$0x3FC8]  }
0x92: {  	s4 =	sld [smem:$0x3FD0];
	(tm) =	ssettm $0x1  }
0x93: {  	s5 =	sld [smem:$0x3FFB];
	_ =	sdelay $0x3  }
0x94: {  	_ =	strace s5  }
0x95: {  	s5 =	sld [smem:$0x3FFC];
	_ =	sdelay $0x3  }
0x96: {  	_ =	strace s5  }
0x97: {  	s5 =	sld [smem:$0x3FFD];
	_ =	sdelay $0x3  }
0x98: {  	_ =	strace s5  }
0x99: {  	_ =	strace $0x8FFFFFFF  }
0x9a: {  	s20 =	sld [smem:$0x3FDB];
	_ =	sdelay $0x1  }
0x9b: {  	s6 =	simm.s32 $_scs_section_size  }
0x9c: {  	s7 =	simm.s32 $_size__tile_overlayer_lowered;
	s8 =	simm.s32 $_tile_overlayer_lowered  }
0x9d: {  	s23 =	simm.s32 $0x1BFF;
	s22 =	sshll.u32 s8, $0x1;
	s5 =	sadd.s32 s6, s20  }
0x9e: {  	s9 =	simm.s32 $0x0;
	s21 =	sshll.u32 s7, $0x1;
	s7 =	sadd.s32 s22, s5  }
0x9f: {  	[timem:s9], [sflag:s23] =	dma.local [hbm:s7], s21  }
0xa0: {  	_ =	swait.ge [sflag:s23], s21  }
0xa1: {  	s6 =	ssub.s32 $0x0, s21;
	[sflag:s23] =	ssyncset.done $0x0  }
0xa2: {  	[sflag:s23] =	ssyncadd.s32 s6;
	_ =	sdelay $0x1  }
0xa3: {  	s24 =	simm.s32 $0x1B8B  }
0xa4: {  	_ =	swait.ge [sflag:s24], $0x1  }
0xa5: {  	[sflag:s24] =	ssyncset.done $0x0  }
0xa6: {  	s25 =	simm.s32 $0x1B8E;
	[sflag:s24] =	ssyncadd.s32 $0xFFFFFFFF  }
0xa7: {  	s26 =	simm.s32 $execute0_lowered;
	[smem:$0x3FD2] =	sst s25  }
0xa8: {  	s6 =	sshll.u32 s26, $0x1;
	_ =	strace $0x80000046;
	[dreg:$0x1] =	wrdreg $0xFFFFFFFF  }
0xa9: {  	s28 =	simm.s32 $_size_execute0_lowered;
	s5 =	sadd.s32 s5, s6;
	[dreg:$0x0] =	wrdreg $0x0  }
0xaa: {  	s6 =	sshll.u32 s28, $0x1;
	[dreg:$0x2] =	wrdreg s5  }
0xab: {  	[dreg:$0x3] =	wrdreg s6  }
0xac: {  	[dreg:$0x4] =	wrdreg $0xC0  }
0xad: {  	_ =	task [dreg:s9], $0x5FFFF  }
0xae: {  	[dreg:$0x1] =	wrdreg $0xFFFFFFFF  }
0xaf: {  	[dreg:$0x0] =	wrdreg $0x60  }
0xb0: {  	[dreg:$0x2] =	wrdreg s2  }
0xb1: {  	[dreg:$0x3] =	wrdreg s19  }
0xb2: {  	[dreg:$0x4] =	wrdreg s4  }
0xb3: {  	[dreg:$0x5] =	wrdreg $0x9  }
0xb4: {  	_ =	task.clear_ibuf [dreg:s9], $0x6FFFF;
	_ =	strace $0x90000046  }
0xb5: {  	s29 =	simm.s32 $0x9;
	_ =	strace $0x80000048  }
0xb6: {  	_ =	swait.ge [sflag:s29], $0x1  }
0xb7: {  	[sflag:s29] =	ssyncadd.s32 $0xFFFFFFFF  }
0xb8: {  	_ =	strace $0x90000048  }
0xb9: {  	_ =	sfence  }
0xba: {  	s30 =	sld [smem:$0x0];
	_ =	sdelay $0x2  }
0xbb: {  	s31 =	sshll.u32 s1, $0xD;
	s1 =	sshrl.u32 s1, $0x2  }
0xbc: {  	s3 =	sand.u32 $0x4000, s31;
	s1 =	sadd.s32 s1, s30  }
0xbd: {  	s0 =	sor.u32 s3, s0;
	s1 =	sshll.u32 s1, $0x11  }
0xbe: {  	s0 =	sor.u32 s1, s0  }
0xbf: {  	s0 =	sadd.s32 $0x8F2B, s0  }
0xc0: {  	[sflag:s0] =	ssyncadd.remote.s32 $0x1  }
0xc1: {  	_ =	sfence.sel $0xFFFF  }
0xc2: {  	[dreg:$0x0] =	wrdreg $0xFFFFFFFF;
	(pc) =	sbr.abs _section_cstart, $3  }
0xc3: {  	[dreg:$0x1] =	wrdreg $0xFFFFFFFF  }
0xc4: {  	_ =	task.clear_ibuf [dreg:s9], $0x2FFFF;
	_ =	strace $0x9FFFFFFF  }
0xc5: {  	(tm) =	ssettm $0x7FFFFFFF  }
tec
execute0_lowered:
.L_overlay_start_1:
0x0: {  	(tag) =	ssettag $0x1  }
0x1: {  	s0 =	srdreg.scid;
	s2 =	stileid.u32  }
0x2: {  	s0 =	sand.u32 $0x1, s0;
	s2 =	sshll.u32 s2, $0x1  }
0x3: {  	s1 =	rddreg [dreg:$0x0];
	s2 =	sor.u32 s0, s2  }
0x4: {  	s4 =	rddreg [dreg:$0x2];
	s5 =	smul.u32 $0x30, s2  }
0x5: {  	s7 =	simm.s32 $0x0;
	s11 =	simm.s32 $0x1180;
	s13 =	simm.s32 $0x5180  }
0x6: {  	s15 =	simm.s32 $0x9180;
	s3 =	sor.u32 $0x1, s5;
	s6 =	sand.u32 $0x600, s5  }
0x7: {  	s16 =	simm.s32 $0x1;
	s17 =	simm.s32 $0xD180;
	s3 =	ssub.s32 s3, s6  }
0x8: {  	s18 =	simm.s32 $0x400;
	s2 =	smul.u32 $0x1800, s2;
	s29 =	sshrl.u32 s3, $0x1A  }
0x9: {  	s19 =	simm.s32 $0x8000;
	[smem:$0x7FF] =	sst s7;
	s7 =	sand.u32 $0x1F, s29  }
0xa: {  	s8 =	sand.u32 $0x1F0, s5;
	s2 =	sand.u32 $0x30000, s2;
	s7 =	sadd.s32 s7, s3  }
0xb: {  	s30 =	sshrl.u32 s8, $0x5;
	s8 =	sshll.u32 s8, $0x7;
	s7 =	sshll.u32 s7, $0x10  }
0xc: {  	s9 =	sshll.u32 s30, $0x3;
	s31 =	sshra.s32 s3, $0x1F;
	s7 =	sshra.s32 s7, $0x15  }
0xd: {  	s6 =	sshll.u32 s30, $0xC;
	s22 =	sor.u32 s2, s9;
	s7 =	sadd.s32 s7, s31  }
0xe: {  	s3 =	sshll.u32 s3, $0x7;
	s9 =	sshll.u32 s7, $0x3;
	s7 =	sshll.u32 s7, $0xC  }
0xf: {  	s0 =	ssub.s32 $0x2, s0;
	s6 =	ssub.s32 s8, s6;
	s3 =	ssub.s32 s3, s7  }
0x10: {  	s20 =	simm.s32 $0x2;
	s21 =	simm.s32 $0x5;
	s28 =	sshrl.u32 s0, $0x1;
	v2 =	vmov s6;
	v5 =	vmov s3  }
0x11: {  	s23 =	simm.s32 $0x3;
	s24 =	simm.s32 $0x6;
	s0 =	ssub.s32 s0, s28  }
0x12: {  	_ =	strace $0x80000047;
	[dreg:$0x4] =	wrdreg s5;
	s0 =	smax.u32 s0, $0x1  }
0x13: {  	v3 =	vimm.s32 $0x0;
	s25 =	simm.s32 $0x15180;
	[dreg:$0x5] =	wrdreg s0;
	s2 =	sadd.s32 s2, s9  }
0x14: {  	v4 =	vlaneseq.u32;
	v0 =	vmov s22;
	s22 =	simm.s32 $0x11180;
	s9 =	simm.s32 $0x80;
	v1 =	vmov s2;
	s2 =	simm.s32 $0x0  }
.LBB2_1:
0x15: {  	[dreg:$0x6] =	wrdreg s2  }
0x16: {  	s0 =	rddreg [dreg:$0x1];
	s30 =	simm.s32 $0x0;
	s31 =	simm.s32 $0x7  }
0x17: {  	[tilespmem:s30], [sflag:$0x7] =	stream.linear.gather [hbm4b:s0+s30], $0x1000, $0x38;
	[tilespmem:$0x19180] =	vst v63  }
0x18: {  	_ =	swait.ge [sflag:s31], $0x1000  }
0x19: {  	[sflag:s31] =	ssyncset.done $0x0  }
0x1a: {  	s0 =	simm.s32 $0x20;
	[sflag:s31] =	ssyncadd.s32 $0xFFFFF000  }
0x1b: {  	v6 =	vld [tilespmem:s0+$0x10]  }
0x1c: {  	v11 =	vld [tilespmem:s0+$0xFFFFFFE0]  }
0x1d: {  	v10 =	vld [tilespmem:s0+$0xFFFFFFF0]  }
0x1e: {  	v12 =	vld [tilespmem:s0+$0x0];
	_ =	sdelay $0x1  }
0x1f: {  	v7 =	vshra.s32 v6, $0x1F;
	v8 =	vand.u32 $0x3F, v6  }
0x20: {  	vm0 =	vlt.s32 v6, $0x1;
	v9 =	vshra.s32 v11, $0x1F;
	v14 =	vand.u32 $0x3F, v11  }
0x21: {  	v15 =	vand.u32 $0x3F, v10;
	v7 =	vshrl.u32 v7, $0x1A;
	vm1 =	vne.s32 v8, $0x0  }
0x22: {  	v16 =	vand.u32 $0x3F, v12;
	v7 =	vadd.s32 v7, v6;
	vm0 =	vmand vm0, vm1  }
0x23: {  	vm15 =	vlt.s32 v11, $0x1;
	v7 =	vshra.s32 v7, $0x6;
	v13 =	vsel vm0, $0xFFFFFFFF, v3  }
0x24: {  	vm4 =	vlt.s32 v10, $0x1;
	vm5 =	vlt.s32 v12, $0x1;
	v7 =	vadd.s32 v13, v7  }
0x25: {  	v8 =	vshra.s32 v10, $0x1F;
	v9 =	vshrl.u32 v9, $0x1A;
	v17 =	vshll.u32 v7, $0x6  }
0x26: {  	vm12 =	vne.s32 v14, $0x0;
	v18 =	vsub.s32 v6, v17;
	vm11 =	vne.s32 v6, v17  }
0x27: {  	vm3 =	vne.s32 v15, $0x0;
	v14 =	vshra.s32 v18, $0x1F;
	v17 =	vsel vm11, $0x1, v3  }
0x28: {  	vm14 =	vne.s32 v16, $0x0;
	v6 =	vand.u32 $0x7, v6;
	v17 =	vor.u32 v17, v14  }
0x29: {  	vm2 =	vne.s32 v6, $0x0;
	v14 =	vshrl.u32 v14, $0x1D;
	vm13 =	vne.s32 v17, $0x1  }
0x2a: {  	v8 =	vshrl.u32 v8, $0x1A;
	v6 =	vadd.s32 v14, v18;
	vm0 =	vmand vm2, vm13  }
0x2b: {  	v9 =	vadd.s32 v9, v11;
	v6 =	vshra.s32 v6, $0x3;
	v14 =	vsel vm0, $0xFFFFFFFF, v3  }
0x2c: {  	vm1 =	vmand vm15, vm12;
	v7 =	vshll.u32 v7, $0xD;
	v6 =	vadd.s32 v14, v6  }
0x2d: {  	vm6 =	vmand vm4, vm3;
	v7 =	vadd.s32 v7, v18;
	v14 =	vshll.u32 v6, $0x7  }
0x2e: {  	v13 =	vshra.s32 v12, $0x1F;
	v6 =	vshll.u32 v6, $0x3;
	v7 =	vadd.s32 v14, v7  }
0x2f: {  	v13 =	vshrl.u32 v13, $0x1A;
	vm0 =	vmand vm5, vm14;
	v14 =	vsub.s32 v7, v6  }
0x30: {  	v6 =	vadd.s32 v8, v10;
	v7 =	vshra.s32 v9, $0x6;
	v8 =	vadd.s32 v13, v12  }
0x31: {  	v9 =	vsel vm1, $0xFFFFFFFF, v3;
	v13 =	vsel vm6, $0xFFFFFFFF, v3;
	v6 =	vshra.s32 v6, $0x6  }
0x32: {  	v15 =	vadd.s32 v9, v7;
	v7 =	vshra.s32 v8, $0x6;
	v8 =	vsel vm0, $0xFFFFFFFF, v3  }
0x33: {  	v9 =	vshll.u32 v15, $0x6;
	v16 =	vadd.s32 v13, v6;
	v17 =	vadd.s32 v8, v7  }
0x34: {  	v8 =	vsub.s32 v11, v9;
	v6 =	vshll.u32 v16, $0x6;
	v13 =	vshll.u32 v17, $0x6  }
0x35: {  	[tilespmem:s0+$0x10] =	vst v14;
	vm7 =	vne.s32 v11, v9;
	v11 =	vand.u32 $0x7, v11;
	v14 =	vshll.u32 v16, $0xD  }
0x36: {  	v7 =	vsub.s32 v10, v6;
	vm8 =	vne.s32 v10, v6;
	v6 =	vshra.s32 v8, $0x1F  }
0x37: {  	v9 =	vsub.s32 v12, v13;
	vm9 =	vne.s32 v12, v13;
	v13 =	vsel vm7, $0x1, v3  }
0x38: {  	vm11 =	vne.s32 v11, $0x0;
	v10 =	vand.u32 $0x7, v10;
	v12 =	vand.u32 $0x7, v12  }
0x39: {  	v61 =	vshra.s32 v7, $0x1F;
	v19 =	vsel vm8, $0x1, v3;
	v13 =	vor.u32 v13, v6  }
0x3a: {  	v20 =	vshra.s32 v9, $0x1F;
	v6 =	vshrl.u32 v6, $0x1D;
	vm14 =	vne.s32 v10, $0x0  }
0x3b: {  	vm15 =	vne.s32 v12, $0x0;
	vm10 =	vne.s32 v13, $0x1;
	v13 =	vsel vm9, $0x1, v3  }
0x3c: {  	v11 =	vor.u32 v19, v61;
	v6 =	vadd.s32 v6, v8;
	vm0 =	vmand vm11, vm10  }
0x3d: {  	v13 =	vor.u32 v13, v20;
	vm12 =	vne.s32 v11, $0x1;
	v11 =	vshrl.u32 v61, $0x1D  }
0x3e: {  	v6 =	vshra.s32 v6, $0x3;
	vm13 =	vne.s32 v13, $0x1;
	v13 =	vshrl.u32 v20, $0x1D  }
0x3f: {  	vm1 =	vmand vm14, vm12;
	v10 =	vsel vm0, $0xFFFFFFFF, v3;
	v11 =	vadd.s32 v11, v7  }
0x40: {  	vm2 =	vmand vm15, vm13;
	v13 =	vadd.s32 v13, v9;
	v62 =	vsel vm1, $0xFFFFFFFF, v3  }
0x41: {  	v12 =	vadd.s32 v10, v6;
	v10 =	vshra.s32 v11, $0x3;
	v6 =	vshll.u32 v15, $0xD  }
0x42: {  	v15 =	vshll.u32 v17, $0xD;
	v63 =	vsel vm2, $0xFFFFFFFF, v3;
	v13 =	vshra.s32 v13, $0x3  }
0x43: {  	s2 =	simm.s32 $0x0;
	p0 =	por $0x1, $0x1;
	s29 =	simm.s32 $0x60;
	v11 =	vadd.s32 v62, v10;
	v10 =	vadd.s32 v63, v13;
	v13 =	vshll.u32 v12, $0x7  }
.LBB2_2:
0x44: {  	v16 =	vld [tilespmem:s29+$0x10];
	s2 =	sadd.s32 $0x4, s2;
	v8 =	vadd.s32 v6, v8;
	v17 =	vshll.u32 v11, $0x7;
	v18 =	vshll.u32 v10, $0x7  }
0x45: {  	v7 =	vadd.s32 v14, v7;
	v9 =	vadd.s32 v15, v9;
	v6 =	vld [tilespmem:s29+$0xFFFFFFF0];
	p1 =	slt.u32 s2, $0xFC;
	v8 =	vadd.s32 v13, v8  }
0x46: {  	v12 =	vshll.u32 v12, $0x3;
	v7 =	vadd.s32 v17, v7;
	v9 =	vadd.s32 v18, v9;
	v13 =	vld [tilespmem:s29+$0x0]  }
0x47: {  	v11 =	vshll.u32 v11, $0x3;
	v10 =	vshll.u32 v10, $0x3;
	v8 =	vsub.s32 v8, v12;
	v14 =	vld [tilespmem:s29+$0xFFFFFFE0]  }
0x48: {  	v7 =	vsub.s32 v7, v11;
	[tilespmem:s0+$0xFFFFFFE0] =	vst v8;
	v8 =	vsub.s32 v9, v10  }
0x49: {  	v9 =	vshra.s32 v16, $0x1F;
	v10 =	vand.u32 $0x3F, v16;
	[tilespmem:s0+$0xFFFFFFF0] =	vst v7  }
0x4a: {  	vm0 =	vlt.s32 v16, $0x1;
	v7 =	vshrl.u32 v9, $0x1A;
	vm1 =	vne.s32 v10, $0x0;
	[tilespmem:s0+$0x0] =	vst v8;
	s0 =	smov.u32 s29  }
0x4b: {  	v8 =	vshra.s32 v6, $0x1F;
	v7 =	vadd.s32 v7, v16;
	vm0 =	vmand vm0, vm1  }
0x4c: {  	v9 =	vshra.s32 v14, $0x1F;
	v7 =	vshra.s32 v7, $0x6;
	v10 =	vsel vm0, $0xFFFFFFFF, v3  }
0x4d: {  	v12 =	vand.u32 $0x3F, v6;
	v11 =	vand.u32 $0x3F, v14;
	v7 =	vadd.s32 v10, v7  }
0x4e: {  	v15 =	vand.u32 $0x3F, v13;
	v10 =	vshra.s32 v13, $0x1F;
	v17 =	vshll.u32 v7, $0x6  }
0x4f: {  	v9 =	vshrl.u32 v9, $0x1A;
	v18 =	vsub.s32 v16, v17;
	vm1 =	vne.s32 v16, v17  }
0x50: {  	vm0 =	vne.s32 v11, $0x0;
	v11 =	vshra.s32 v18, $0x1F;
	v17 =	vsel vm1, $0x1, v3  }
0x51: {  	v8 =	vshrl.u32 v8, $0x1A;
	v16 =	vand.u32 $0x7, v16;
	v17 =	vor.u32 v17, v11  }
0x52: {  	vm2 =	vne.s32 v16, $0x0;
	v11 =	vshrl.u32 v11, $0x1D;
	vm1 =	vne.s32 v17, $0x1  }
0x53: {  	vm3 =	vne.s32 v12, $0x0;
	v11 =	vadd.s32 v11, v18;
	vm1 =	vmand vm2, vm1  }
0x54: {  	v10 =	vshrl.u32 v10, $0x1A;
	v11 =	vshra.s32 v11, $0x3;
	v12 =	vsel vm1, $0xFFFFFFFF, v3  }
0x55: {  	v7 =	vshll.u32 v7, $0xD;
	vm1 =	vne.s32 v15, $0x0;
	v11 =	vadd.s32 v12, v11  }
0x56: {  	v7 =	vadd.s32 v7, v18;
	vm2 =	vlt.s32 v14, $0x1;
	v12 =	vshll.u32 v11, $0x7  }
0x57: {  	vm4 =	vlt.s32 v6, $0x1;
	v11 =	vshll.u32 v11, $0x3;
	v7 =	vadd.s32 v12, v7  }
0x58: {  	vm5 =	vlt.s32 v13, $0x1;
	v9 =	vadd.s32 v9, v14;
	v7 =	vsub.s32 v7, v11  }
0x59: {  	s3 =	simm.s32 $0x0;
	v8 =	vadd.s32 v8, v6;
	vm0 =	vmand vm2, vm0;
	vm2 =	vmand vm4, vm3;
	[tilespmem:s29+$0x10] =	vst v7  }
0x5a: {  	vm1 =	vmand vm5, vm1;
	v7 =	vshra.s32 v9, $0x6;
	v9 =	vadd.s32 v10, v13  }
0x5b: {  	v8 =	vshra.s32 v8, $0x6;
	v11 =	vsel vm2, $0xFFFFFFFF, v3;
	v10 =	vsel vm0, $0xFFFFFFFF, v3  }
0x5c: {  	v10 =	vadd.s32 v10, v7;
	v7 =	vshra.s32 v9, $0x6;
	v9 =	vsel vm1, $0xFFFFFFFF, v3  }
0x5d: {  	v15 =	vadd.s32 v11, v8;
	v12 =	vshll.u32 v10, $0x6;
	v16 =	vadd.s32 v9, v7  }
0x5e: {  	v9 =	vshll.u32 v15, $0x6;
	v8 =	vsub.s32 v14, v12;
	v11 =	vshll.u32 v16, $0x6  }
0x5f: {  	vm0 =	vne.s32 v14, v12;
	v7 =	vsub.s32 v6, v9;
	vm1 =	vne.s32 v6, v9  }
0x60: {  	v12 =	vshra.s32 v8, $0x1F;
	v9 =	vsub.s32 v13, v11;
	vm2 =	vne.s32 v13, v11  }
0x61: {  	v11 =	vsel vm0, $0x1, v3;
	v17 =	vshra.s32 v7, $0x1F;
	v18 =	vsel vm1, $0x1, v3  }
0x62: {  	v11 =	vor.u32 v11, v12;
	v19 =	vshra.s32 v9, $0x1F;
	v20 =	vsel vm2, $0x1, v3  }
0x63: {  	v14 =	vand.u32 $0x7, v14;
	v18 =	vor.u32 v18, v17;
	v20 =	vor.u32 v20, v19  }
0x64: {  	v6 =	vand.u32 $0x7, v6;
	vm0 =	vne.s32 v11, $0x1;
	v11 =	vand.u32 $0x7, v13  }
0x65: {  	v12 =	vshrl.u32 v12, $0x1D;
	vm1 =	vne.s32 v18, $0x1;
	vm2 =	vne.s32 v20, $0x1  }
0x66: {  	vm3 =	vne.s32 v14, $0x0;
	v13 =	vshrl.u32 v17, $0x1D;
	v14 =	vshrl.u32 v19, $0x1D  }
0x67: {  	vm0 =	vmand vm3, vm0;
	vm3 =	vne.s32 v6, $0x0;
	vm4 =	vne.s32 v11, $0x0  }
0x68: {  	v6 =	vadd.s32 v12, v8;
	vm1 =	vmand vm3, vm1;
	vm2 =	vmand vm4, vm2  }
.Ltmp0:
0x69: {  	v13 =	vadd.s32 v13, v7;
	v14 =	vadd.s32 v14, v9;
	v11 =	vsel vm0, $0xFFFFFFFF, v3;
	(pc) =	sbr.rel @p1 .LBB2_2-.Ltmp0, $4  }
0x6a: {  	v6 =	vshra.s32 v6, $0x3;
	v17 =	vsel vm1, $0xFFFFFFFF, v3;
	v18 =	vsel vm2, $0xFFFFFFFF, v3  }
0x6b: {  	v12 =	vadd.s32 v11, v6;
	v11 =	vshra.s32 v13, $0x3;
	v13 =	vshra.s32 v14, $0x3  }
0x6c: {  	v6 =	vshll.u32 v10, $0xD;
	v11 =	vadd.s32 v17, v11;
	v10 =	vadd.s32 v18, v13  }
0x6d: {  	s29 =	sadd.s32 $0x40, s29;
	v14 =	vshll.u32 v15, $0xD;
	v15 =	vshll.u32 v16, $0xD;
	v13 =	vshll.u32 v12, $0x7  }
0x6e: {  	v6 =	vadd.s32 v6, v8  }
0x6f: {  	v61 =	vshll.u32 v11, $0x7;
	v16 =	vshll.u32 v10, $0x7;
	v7 =	vadd.s32 v14, v7  }
0x70: {  	v9 =	vadd.s32 v15, v9;
	v12 =	vshll.u32 v12, $0x3;
	v6 =	vadd.s32 v13, v6  }
0x71: {  	v62 =	vshll.u32 v11, $0x3;
	v7 =	vadd.s32 v61, v7;
	v6 =	vsub.s32 v6, v12  }
0x72: {  	v63 =	vshll.u32 v10, $0x3;
	v9 =	vadd.s32 v16, v9;
	[tilespmem:s0+$0xFFFFFFE0] =	vst v6;
	v6 =	vsub.s32 v7, v62  }
0x73: {  	v7 =	vsub.s32 v9, v63;
	[tilespmem:s0+$0xFFFFFFF0] =	vst v6  }
0x74: {  	[tilespmem:s0+$0x0] =	vst v7  }
.LBB2_4:
0x75: {  	v6 =	vld.idx.msk [tilespmem:v2+s3+$0x0 ss:$0x1], $0xffff  }
0x76: {  	v7 =	vld.idx.msk [tilespmem:v2+s3+$0x10 ss:$0x1], $0xffff  }
0x77: {  	v8 =	vld.idx.msk [tilespmem:v2+s3+$0x20 ss:$0x1], $0xffff  }
0x78: {  	v9 =	vld.idx.msk [tilespmem:v2+s3+$0x30 ss:$0x1], $0xffff  }
0x79: {  	p1 =	por p0, p0  }
.Ltmp1:
0x7a: {  	v6 =	vadd.s32 v0, v6;
	(pc) =	sbr.rel @p1 .LBB2_4-.Ltmp1, $4  }
0x7b: {  	[tilespmem:s3+$0x1000] =	vst v6;
	v6 =	vadd.s32 v0, v7  }
0x7c: {  	[tilespmem:s3+$0x1010] =	vst v6;
	v6 =	vadd.s32 v0, v8  }
0x7d: {  	[tilespmem:s3+$0x1020] =	vst v6;
	v6 =	vadd.s32 v0, v9  }
0x7e: {  	p0 =	por $0x0, $0x0;
	[tilespmem:s3+$0x1030] =	vst v6;
	s3 =	simm.s32 $0x40  }
0x7f: {  	s0 =	simm.s32 $0x1000  }
0x80: {  	[tilespmem:s11], [sflag:$0x1] =	stream.indirect.gather [hbm4b:s1+s9], $0x80, s0, s9, $0xb8;
	[tilespmem:$0x19180] =	vst v63  }
0x81: {  	p0 =	por $0x1, $0x1;
	s0 =	simm.s32 $0x0  }
.LBB2_6:
0x82: {  	v6 =	vld.idx.msk [tilespmem:v5+s0+$0x0 ss:$0x1], $0xffff  }
0x83: {  	v7 =	vld.idx.msk [tilespmem:v5+s0+$0x10 ss:$0x1], $0xffff  }
0x84: {  	v8 =	vld.idx.msk [tilespmem:v5+s0+$0x20 ss:$0x1], $0xffff  }
0x85: {  	v9 =	vld.idx.msk [tilespmem:v5+s0+$0x30 ss:$0x1], $0xffff  }
0x86: {  	p1 =	por p0, p0  }
.Ltmp2:
0x87: {  	v6 =	vadd.s32 v1, v6;
	(pc) =	sbr.rel @p1 .LBB2_6-.Ltmp2, $4  }
0x88: {  	[tilespmem:s0+$0x1080] =	vst v6;
	v6 =	vadd.s32 v1, v7  }
0x89: {  	[tilespmem:s0+$0x1090] =	vst v6;
	v6 =	vadd.s32 v1, v8  }
0x8a: {  	[tilespmem:s0+$0x10A0] =	vst v6;
	v6 =	vadd.s32 v1, v9  }
0x8b: {  	p0 =	por $0x0, $0x0;
	[tilespmem:s0+$0x10B0] =	vst v6;
	s0 =	simm.s32 $0x40  }
0x8c: {  	s0 =	simm.s32 $0x1080;
	s29 =	simm.s32 $0x0  }
0x8d: {  	[tilespmem:s13], [sflag:$0x2] =	stream.indirect.gather [hbm4b:s1+s9], $0x80, s0, s9, $0xb8;
	[tilespmem:$0x19180] =	vst v63  }
.LBB2_8:
0x8e: {  	s0 =	smul.u32 $0x3, s29  }
0x8f: {  	s2 =	rddreg [dreg:$0x4]  }
0x90: {  	s0 =	sadd.s32 s2, s0  }
0x91: {  	s2 =	sadd.s32 $0x2, s0  }
0x92: {  	s31 =	sand.u32 $0x1FF, s2  }
0x93: {  	s30 =	sshrl.u32 s31, $0x5  }
0x94: {  	s8 =	sshll.u32 s31, $0x7;
	s7 =	sshll.u32 s30, $0xC  }
0x95: {  	s28 =	ssub.s32 s8, s7  }
0x96: {  	v7 =	vmov s28  }
0x97: {  	s3 =	sshll.u32 s2, $0x7  }
0x98: {  	s3 =	sand.u32 $0x7FFF0000, s3;
	s6 =	sshll.u32 s30, $0x3  }
0x99: {  	s3 =	sor.u32 s3, s6  }
0x9a: {  	p0 =	por $0x1, $0x1;
	v6 =	vmov s3;
	s3 =	simm.s32 $0x0  }
.LBB2_9:
0x9b: {  	v8 =	vld.idx.msk [tilespmem:v7+s3+$0x0 ss:$0x1], $0xffff  }
0x9c: {  	v9 =	vld.idx.msk [tilespmem:v7+s3+$0x10 ss:$0x1], $0xffff  }
0x9d: {  	v10 =	vld.idx.msk [tilespmem:v7+s3+$0x20 ss:$0x1], $0xffff  }
0x9e: {  	v11 =	vld.idx.msk [tilespmem:v7+s3+$0x30 ss:$0x1], $0xffff  }
0x9f: {  	p1 =	por p0, p0  }
.Ltmp3:
0xa0: {  	v8 =	vadd.s32 v6, v8;
	(pc) =	sbr.rel @p1 .LBB2_9-.Ltmp3, $4  }
0xa1: {  	[tilespmem:s3+$0x1100] =	vst v8;
	v8 =	vadd.s32 v6, v9  }
0xa2: {  	[tilespmem:s3+$0x1110] =	vst v8;
	v8 =	vadd.s32 v6, v10  }
0xa3: {  	[tilespmem:s3+$0x1120] =	vst v8;
	v8 =	vadd.s32 v6, v11  }
0xa4: {  	p0 =	por $0x0, $0x0;
	[tilespmem:s3+$0x1130] =	vst v8;
	s3 =	simm.s32 $0x40  }
0xa5: {  	s3 =	simm.s32 $0x1100;
	s6 =	simm.s32 $0x1;
	s7 =	simm.s32 $0x2  }
0xa6: {  	s28 =	simm.s32 $0x0;
	s5 =	simm.s32 $0x6;
	s10 =	simm.s32 $0x3  }
0xa7: {  	[tilespmem:s15], [sflag:$0x3] =	stream.indirect.gather [hbm4b:s1+s9], $0x80, s3, s9, $0xb8;
	v6 =	vadd.s32 s6, v4;
	v7 =	vadd.s32 s7, v4;
	[tilespmem:$0x19180] =	vst v63  }
0xa8: {  	s3 =	simm.s32 $0x0;
	s6 =	sand.u32 $0x70, s28;
	v9 =	vadd.s32 s5, v4;
	v10 =	vadd.s32 s10, v4;
	s28 =	simm.s32 $0xFFFFFFF7;
	v6 =	vand.u32 $0xF, v6  }
0xa9: {  	s8 =	sand.u32 $0x8, s3;
	s26 =	sand.u32 $0x70, s3;
	v7 =	vand.u32 $0xF, v7;
	v9 =	vand.u32 $0xF, v9;
	v16 =	vadd.s32 s28, v4  }
0xaa: {  	v8 =	vadd.s32 s8, v4;
	v14 =	vor.u32 s26, v6;
	v6 =	vor.u32 s6, v4  }
0xab: {  	s12 =	simm.s32 $0x5;
	v22 =	vor.u32 s26, v9;
	v15 =	vor.u32 s26, v7;
	v7 =	vand.u32 $0xF, v10  }
0xac: {  	s14 =	simm.s32 $0x4;
	v9 =	vadd.s32 s12, v4;
	v8 =	vand.u32 $0xF, v8;
	v10 =	vor.u32 s26, v7  }
0xad: {  	v7 =	vadd.s32 s14, v4;
	v17 =	vshll.u32 v6, $0x7;
	v9 =	vand.u32 $0xF, v9  }
0xae: {  	_ =	swait.ge [sflag:s16], $0x4000;
	v25 =	vshll.u32 v15, $0x7;
	v8 =	vor.u32 s26, v8;
	v7 =	vand.u32 $0xF, v7  }
0xaf: {  	p0 =	seq.s32 s29, $0x0;
	[sflag:s16] =	ssyncset.done $0x0;
	v13 =	vor.u32 v17, v15;
	v20 =	vor.u32 s26, v9;
	v23 =	vor.u32 v17, v14  }
0xb0: {  	s6 =	simm.s32 @!p0 $0x4;
	[sflag:s16] =	ssyncadd.s32 $0xFFFFC000;
	v11 =	vor.u32 v17, v22;
	v9 =	vand.u32 $0xF, v16;
	v18 =	vor.u32 v8, v17  }
0xb1: {  	_ =	swait.ge @!p0 [sflag:s6], $0x4000;
	v14 =	vshll.u32 v14, $0x7;
	v22 =	vshll.u32 v22, $0x7;
	v24 =	vor.u32 v17, v20  }
0xb2: {  	v12 =	vshll.u32 v8, $0x7;
	v7 =	vor.u32 s26, v7;
	v8 =	vor.u32 v17, v10;
	[sflag:s6] =	ssyncset.done @!p0 $0x0  }
0xb3: {  	v9 =	vor.u32 s26, v9;
	v20 =	vshll.u32 v20, $0x7;
	v12 =	vor.u32 v6, v12;
	[sflag:s6] =	ssyncadd.s32 @!p0 $0xFFFFC000  }
0xb4: {  	v21 =	vor.u32 v17, v7;
	v7 =	vshll.u32 v7, $0x7;
	v19 =	vor.u32 v17, v9;
	v15 =	vld.idx.msk [tilespmem:v23+s11+$0x0], $0xffff  }
0xb5: {  	v16 =	vshll.u32 v9, $0x7;
	v20 =	vor.u32 v6, v20;
	v9 =	vor.u32 v6, v7;
	v17 =	vld.idx.msk [tilespmem:v18+s11+$0x0], $0xffff  }
0xb6: {  	s6 =	simm.s32 $0x1;
	v7 =	vor.u32 v6, v16;
	v16 =	vor.u32 v6, v14;
	v14 =	vor.u32 v6, v25;
	v18 =	vld.idx.msk [tilespmem:v24+s11+$0x0], $0xffff  }
.LBB2_11:
0xb7: {  	s7 =	sadd.s32 $0x9, s3  }
0xb8: {  	s8 =	sadd.s32 $0xA, s3;
	v13 =	vld.idx.msk [tilespmem:v13+s11+$0x0], $0xffff;
	v10 =	vshll.u32 v10, $0x7;
	v22 =	vor.u32 v6, v22;
	s26 =	smov.u32 s3;
	s3 =	sadd.s32 $0x8, s3  }
0xb9: {  	s28 =	sand.u32 $0x8, s3;
	v23 =	vadd.s32 s7, v4;
	v24 =	vadd.s32 s8, v4;
	s7 =	sadd.s32 $0xB, s26;
	s8 =	sadd.s32 $0xE, s26;
	v25 =	vor.u32 v6, v10;
	v21 =	vld.idx.msk [tilespmem:v21+s11+$0x0], $0xffff  }
0xba: {  	s10 =	sand.u32 $0x70, s3;
	s12 =	sadd.s32 $0xD, s26;
	v6 =	vadd.s32 s28, v4;
	v10 =	vand.u32 $0xF, v23;
	v23 =	vand.u32 $0xF, v24;
	s28 =	sadd.s32 $0xC, s26;
	v19 =	vld.idx.msk [tilespmem:v19+s11+$0x0], $0xffff  }
0xbb: {  	s14 =	sand.u32 $0x70, s6;
	p1 =	slt.u32 s3, $0x3F8;
	v24 =	vand.u32 $0xF, v6;
	v26 =	vor.u32 s10, v10;
	v10 =	vadd.s32 s8, v4;
	s8 =	sadd.s32 $0xFFFFFFFF, s26;
	[tilespmem:v12+s17+$0x0] =	vst.idx.msk $0xffff, v17;
	v11 =	vld.idx.msk [tilespmem:v11+s11+$0x0], $0xffff  }
0xbc: {  	v6 =	vor.u32 s14, v4;
	v12 =	vor.u32 s10, v24;
	v10 =	vand.u32 $0xF, v10;
	v8 =	vld.idx.msk [tilespmem:v8+s11+$0x0], $0xffff;
	[tilespmem:v20+s17+$0x0] =	vst.idx.msk $0xffff, v18  }
0xbd: {  	v18 =	vadd.s32 s7, v4;
	v17 =	vshll.u32 v12, $0x7;
	v24 =	vor.u32 s10, v10;
	[tilespmem:v16+s17+$0x0] =	vst.idx.msk $0xffff, v15  }
0xbe: {  	v15 =	vor.u32 s10, v23;
	v10 =	vand.u32 $0xF, v18;
	v16 =	vadd.s32 s12, v4;
	[tilespmem:v14+s17+$0x0] =	vst.idx.msk $0xffff, v13  }
0xbf: {  	v10 =	vor.u32 s10, v10;
	v13 =	vadd.s32 s28, v4;
	v14 =	vadd.s32 s8, v4;
	[tilespmem:v9+s17+$0x0] =	vst.idx.msk $0xffff, v21  }
0xc0: {  	v16 =	vand.u32 $0xF, v16;
	v9 =	vshll.u32 v6, $0x7;
	v18 =	vand.u32 $0xF, v13;
	[tilespmem:v7+s17+$0x0] =	vst.idx.msk $0xffff, v19  }
0xc1: {  	v16 =	vor.u32 s10, v16;
	v7 =	vor.u32 v12, v9;
	v13 =	vor.u32 v9, v15;
	[tilespmem:v22+s17+$0x0] =	vst.idx.msk $0xffff, v11  }
0xc2: {  	v18 =	vor.u32 s10, v18;
	v20 =	vor.u32 v9, v16;
	v22 =	vor.u32 v9, v26;
	[tilespmem:v25+s17+$0x0] =	vst.idx.msk $0xffff, v8  }
0xc3: {  	v14 =	vand.u32 $0xF, v14;
	v11 =	vor.u32 v9, v24;
	v8 =	vor.u32 v9, v10  }
.Ltmp4:
0xc4: {  	v12 =	vor.u32 v6, v17;
	v14 =	vor.u32 s10, v14;
	v21 =	vor.u32 v9, v18;
	(pc) =	sbr.rel @p1 .LBB2_11-.Ltmp4, $4  }
0xc5: {  	v18 =	vshll.u32 v18, $0x7;
	v19 =	vor.u32 v9, v14;
	v14 =	vshll.u32 v14, $0x7  }
0xc6: {  	v16 =	vshll.u32 v16, $0x7;
	v9 =	vor.u32 v6, v18;
	v17 =	vld.idx.msk [tilespmem:v7+s11+$0x0], $0xffff;
	v7 =	vor.u32 v6, v14  }
0xc7: {  	v23 =	vshll.u32 v15, $0x7;
	v14 =	vshll.u32 v26, $0x7;
	v18 =	vld.idx.msk [tilespmem:v20+s11+$0x0], $0xffff;
	v20 =	vor.u32 v6, v16  }
0xc8: {  	s6 =	sadd.s32 $0x1, s6;
	v16 =	vor.u32 v6, v14;
	v14 =	vor.u32 v6, v23;
	v15 =	vld.idx.msk [tilespmem:v22+s11+$0x0], $0xffff;
	v22 =	vshll.u32 v24, $0x7  }
0xc9: {  	_ =	sdelay $0x3  }
0xca: {  	v13 =	vld.idx.msk [tilespmem:v13+s11+$0x0], $0xffff  }
0xcb: {  	v21 =	vld.idx.msk [tilespmem:v21+s11+$0x0], $0xffff  }
0xcc: {  	v19 =	vld.idx.msk [tilespmem:v19+s11+$0x0], $0xffff;
	[tilespmem:v12+s17+$0x0] =	vst.idx.msk $0xffff, v17  }
0xcd: {  	v10 =	vshll.u32 v10, $0x7;
	v63 =	vor.u32 v6, v22;
	v11 =	vld.idx.msk [tilespmem:v11+s11+$0x0], $0xffff;
	s3 =	sshll.u32 s0, $0xE;
	s6 =	sand.u32 $0x1FF, s0;
	[tilespmem:v20+s17+$0x0] =	vst.idx.msk $0xffff, v18  }
0xce: {  	v8 =	vld.idx.msk [tilespmem:v8+s11+$0x0], $0xffff;
	v6 =	vor.u32 v6, v10;
	s3 =	sand.u32 $0x7F800000, s3;
	s7 =	sshrl.u32 s6, $0x5;
	s6 =	sshll.u32 s6, $0xA;
	[tilespmem:v16+s17+$0x0] =	vst.idx.msk $0xffff, v15  }
0xcf: {  	p1 =	sne.s32 s29, $0xF;
	s8 =	sshll.u32 s7, $0x13;
	s3 =	sor.u32 s3, s6;
	[tilespmem:v14+s17+$0x0] =	vst.idx.msk $0xffff, v13  }
.Ltmp5:
0xd0: {  	s28 =	sshll.u32 s7, $0xF;
	s3 =	sor.u32 s8, s3;
	[tilespmem:v9+s17+$0x0] =	vst.idx.msk $0xffff, v21;
	(pc) =	sbr.rel @p1 .LBB2_14-.Ltmp5, $4  }
0xd1: {  	s3 =	ssub.s32 s3, s28;
	[tilespmem:v7+s17+$0x0] =	vst.idx.msk $0xffff, v19  }
0xd2: {  	[tilespmem:v63+s17+$0x0] =	vst.idx.msk $0xffff, v11;
	s3 =	sshrl.u32 s3, $0x3  }
0xd3: {  	[tilespmem:v6+s17+$0x0] =	vst.idx.msk $0xffff, v8;
	s3 =	sadd.s32 s4, s3  }
0xd4: {  	[hbm4b:s3+s18] =	stream.strided.scatter [tilespmem:s17], [sflag:$0x4], $0x4000, s19, s18, $0x38;
	[tilespmem:$0x19180] =	vst v63  }
.Ltmp6:
0xd5: {  	(pc) =	sbr.rel .LBB2_17-.Ltmp6, $4  }
0xd6: {  	_ = 	snop  }
0xd7: {  	_ =	swait.ge [sflag:s20], $0x4000  }
0xd8: {  	[sflag:s20] =	ssyncset.done $0x0  }
0xd9: {  	[sflag:s20] =	ssyncadd.s32 $0xFFFFC000  }
.LBB2_14:
0xda: {  	s3 =	sadd.s32 $0x3, s0  }
0xdb: {  	s6 =	sand.u32 $0x1FF, s3  }
0xdc: {  	s7 =	sshrl.u32 s6, $0x5  }
0xdd: {  	s6 =	sshll.u32 s6, $0x7;
	s8 =	sshll.u32 s7, $0x3;
	s7 =	sshll.u32 s7, $0xC  }
0xde: {  	s6 =	ssub.s32 s6, s7  }
0xdf: {  	v7 =	vmov s6  }
0xe0: {  	s3 =	sshll.u32 s3, $0x7  }
0xe1: {  	s3 =	sand.u32 $0x7FFF0000, s3  }
0xe2: {  	s3 =	sor.u32 s3, s8  }
0xe3: {  	p2 =	por $0x1, $0x1;
	v6 =	vmov s3;
	s3 =	simm.s32 $0x0  }
.LBB2_15:
0xe4: {  	v8 =	vld.idx.msk [tilespmem:v7+s3+$0x0 ss:$0x1], $0xffff  }
0xe5: {  	v9 =	vld.idx.msk [tilespmem:v7+s3+$0x10 ss:$0x1], $0xffff  }
0xe6: {  	v10 =	vld.idx.msk [tilespmem:v7+s3+$0x20 ss:$0x1], $0xffff  }
0xe7: {  	v11 =	vld.idx.msk [tilespmem:v7+s3+$0x30 ss:$0x1], $0xffff  }
0xe8: {  	p3 =	por p2, p2  }
.Ltmp7:
0xe9: {  	v8 =	vadd.s32 v6, v8;
	(pc) =	sbr.rel @p3 .LBB2_15-.Ltmp7, $4  }
0xea: {  	[tilespmem:s3+$0x1000] =	vst v8;
	v8 =	vadd.s32 v6, v9  }
0xeb: {  	[tilespmem:s3+$0x1010] =	vst v8;
	v8 =	vadd.s32 v6, v10  }
0xec: {  	[tilespmem:s3+$0x1020] =	vst v8;
	v8 =	vadd.s32 v6, v11  }
0xed: {  	p2 =	por $0x0, $0x0;
	[tilespmem:s3+$0x1030] =	vst v8;
	s3 =	simm.s32 $0x40  }
.Ltmp8:
0xee: {  	s3 =	simm.s32 $0x1000;
	(pc) =	sbr.rel @p0 .LBB2_18-.Ltmp8, $4  }
0xef: {  	[tilespmem:s11], [sflag:$0x1] =	stream.indirect.gather [hbm4b:s1+s9], $0x80, s3, s9, $0xb8;
	[tilespmem:$0x19180] =	vst v63  }
0xf0: {  	_ =	swait.ge [sflag:s20], $0x4000  }
0xf1: {  	[sflag:s20] =	ssyncset.done $0x0  }
0xf2: {  	[sflag:s20] =	ssyncadd.s32 $0xFFFFC000  }
.LBB2_17:
0xf3: {  	_ =	swait.ge [sflag:s21], $0x4000  }
0xf4: {  	[sflag:s21] =	ssyncset.done $0x0  }
0xf5: {  	[sflag:s21] =	ssyncadd.s32 $0xFFFFC000  }
.LBB2_18:
0xf6: {  	s3 =	simm.s32 $0x0;
	s6 =	simm.s32 $0x1;
	s7 =	simm.s32 $0x2  }
0xf7: {  	s5 =	simm.s32 $0x6;
	s12 =	simm.s32 $0x3;
	s8 =	sand.u32 $0x8, s3;
	v6 =	vadd.s32 s6, v4;
	v7 =	vadd.s32 s7, v4  }
0xf8: {  	s28 =	simm.s32 $0x0;
	v9 =	vadd.s32 s5, v4;
	v10 =	vadd.s32 s12, v4;
	v8 =	vadd.s32 s8, v4  }
0xf9: {  	s10 =	sand.u32 $0x70, s3;
	s6 =	sand.u32 $0x70, s28;
	s28 =	simm.s32 $0xFFFFFFF7;
	v6 =	vand.u32 $0xF, v6;
	v7 =	vand.u32 $0xF, v7;
	v9 =	vand.u32 $0xF, v9  }
0xfa: {  	v16 =	vadd.s32 s28, v4;
	v8 =	vand.u32 $0xF, v8;
	v13 =	vor.u32 s10, v6  }
0xfb: {  	s14 =	simm.s32 $0x5;
	v6 =	vor.u32 s6, v4;
	v22 =	vor.u32 s10, v9;
	v15 =	vor.u32 s10, v7  }
0xfc: {  	s26 =	simm.s32 $0x4;
	v7 =	vand.u32 $0xF, v10;
	v9 =	vadd.s32 s14, v4;
	v16 =	vand.u32 $0xF, v16  }
0xfd: {  	v8 =	vor.u32 s10, v8;
	v10 =	vor.u32 s10, v7;
	v7 =	vadd.s32 s26, v4  }
0xfe: {  	v17 =	vshll.u32 v6, $0x7;
	v9 =	vand.u32 $0xF, v9;
	v16 =	vor.u32 s10, v16  }
0xff: {  	v25 =	vshll.u32 v15, $0x7;
	v12 =	vshll.u32 v8, $0x7;
	v8 =	vor.u32 v8, v17  }
0x100: {  	v7 =	vand.u32 $0xF, v7;
	v18 =	vor.u32 s10, v9;
	v23 =	vor.u32 v17, v13  }
0x101: {  	v14 =	vor.u32 v17, v15;
	v9 =	vor.u32 v17, v10;
	v20 =	vor.u32 v17, v18  }
0x102: {  	v11 =	vor.u32 v17, v22;
	v19 =	vor.u32 v17, v16;
	v13 =	vshll.u32 v13, $0x7  }
0x103: {  	v22 =	vshll.u32 v22, $0x7;
	v7 =	vor.u32 s10, v7;
	v12 =	vor.u32 v6, v12  }
0x104: {  	v21 =	vor.u32 v17, v7;
	v7 =	vshll.u32 v7, $0x7;
	v17 =	vshll.u32 v16, $0x7;
	v16 =	vld.idx.msk [tilespmem:v8+s13+$0x0], $0xffff  }
0x105: {  	v24 =	vshll.u32 v18, $0x7;
	v8 =	vor.u32 v6, v7;
	v7 =	vor.u32 v6, v17;
	v15 =	vld.idx.msk [tilespmem:v23+s13+$0x0], $0xffff  }
0x106: {  	s7 =	simm.s32 $0x1;
	s6 =	sadd.s32 $0x1, s0;
	v17 =	vor.u32 v6, v13;
	v13 =	vor.u32 v6, v25;
	v18 =	vld.idx.msk [tilespmem:v20+s13+$0x0], $0xffff;
	v20 =	vor.u32 v6, v24  }
.LBB2_19:
0x107: {  	s8 =	sadd.s32 $0x9, s3  }
0x108: {  	s10 =	sadd.s32 $0xA, s3;
	v14 =	vld.idx.msk [tilespmem:v14+s13+$0x0], $0xffff;
	v10 =	vshll.u32 v10, $0x7;
	v22 =	vor.u32 v6, v22;
	s12 =	smov.u32 s3;
	s3 =	sadd.s32 $0x8, s3  }
0x109: {  	s14 =	sand.u32 $0x8, s3;
	v23 =	vadd.s32 s8, v4;
	v24 =	vadd.s32 s10, v4;
	s8 =	sadd.s32 $0xB, s12;
	s10 =	sadd.s32 $0xE, s12;
	v25 =	vor.u32 v6, v10;
	v21 =	vld.idx.msk [tilespmem:v21+s13+$0x0], $0xffff  }
0x10a: {  	s26 =	sand.u32 $0x70, s3;
	s28 =	sadd.s32 $0xD, s12;
	v6 =	vadd.s32 s14, v4;
	v10 =	vand.u32 $0xF, v23;
	v23 =	vand.u32 $0xF, v24;
	s14 =	sadd.s32 $0xC, s12;
	v19 =	vld.idx.msk [tilespmem:v19+s13+$0x0], $0xffff  }
0x10b: {  	s5 =	sand.u32 $0x70, s7;
	p2 =	slt.u32 s3, $0x3F8;
	v24 =	vand.u32 $0xF, v6;
	v26 =	vor.u32 s26, v10;
	v10 =	vadd.s32 s10, v4;
	s10 =	sadd.s32 $0xFFFFFFFF, s12;
	[tilespmem:v12+s22+$0x0] =	vst.idx.msk $0xffff, v16;
	v11 =	vld.idx.msk [tilespmem:v11+s13+$0x0], $0xffff  }
0x10c: {  	v6 =	vor.u32 s5, v4;
	v12 =	vor.u32 s26, v24;
	v10 =	vand.u32 $0xF, v10;
	v9 =	vld.idx.msk [tilespmem:v9+s13+$0x0], $0xffff;
	[tilespmem:v20+s22+$0x0] =	vst.idx.msk $0xffff, v18  }
0x10d: {  	v18 =	vadd.s32 s8, v4;
	v16 =	vshll.u32 v12, $0x7;
	v24 =	vor.u32 s26, v10;
	[tilespmem:v17+s22+$0x0] =	vst.idx.msk $0xffff, v15  }
0x10e: {  	v15 =	vor.u32 s26, v23;
	v10 =	vand.u32 $0xF, v18;
	v17 =	vadd.s32 s28, v4;
	[tilespmem:v13+s22+$0x0] =	vst.idx.msk $0xffff, v14  }
0x10f: {  	v18 =	vadd.s32 s10, v4;
	v10 =	vor.u32 s26, v10;
	v13 =	vadd.s32 s14, v4;
	[tilespmem:v8+s22+$0x0] =	vst.idx.msk $0xffff, v21  }
0x110: {  	v17 =	vand.u32 $0xF, v17;
	v8 =	vshll.u32 v6, $0x7;
	v13 =	vand.u32 $0xF, v13;
	[tilespmem:v7+s22+$0x0] =	vst.idx.msk $0xffff, v19  }
0x111: {  	v17 =	vor.u32 s26, v17;
	v7 =	vor.u32 v12, v8;
	v14 =	vor.u32 v8, v15;
	[tilespmem:v22+s22+$0x0] =	vst.idx.msk $0xffff, v11  }
0x112: {  	v13 =	vor.u32 s26, v13;
	v20 =	vor.u32 v8, v17;
	v22 =	vor.u32 v8, v26;
	[tilespmem:v25+s22+$0x0] =	vst.idx.msk $0xffff, v9  }
0x113: {  	v18 =	vand.u32 $0xF, v18;
	v11 =	vor.u32 v8, v24;
	v9 =	vor.u32 v8, v10  }
.Ltmp9:
0x114: {  	v12 =	vor.u32 v6, v16;
	v16 =	vor.u32 s26, v18;
	v21 =	vor.u32 v8, v13;
	(pc) =	sbr.rel @p2 .LBB2_19-.Ltmp9, $4  }
0x115: {  	v13 =	vshll.u32 v13, $0x7;
	v19 =	vor.u32 v8, v16;
	v18 =	vshll.u32 v16, $0x7  }
0x116: {  	v8 =	vor.u32 v6, v13;
	v13 =	vshll.u32 v17, $0x7;
	v16 =	vld.idx.msk [tilespmem:v7+s13+$0x0], $0xffff;
	v7 =	vor.u32 v6, v18  }
0x117: {  	v23 =	vshll.u32 v15, $0x7;
	v17 =	vshll.u32 v26, $0x7;
	v18 =	vld.idx.msk [tilespmem:v20+s13+$0x0], $0xffff;
	v20 =	vor.u32 v6, v13  }
0x118: {  	s7 =	sadd.s32 $0x1, s7;
	v17 =	vor.u32 v6, v17;
	v13 =	vor.u32 v6, v23;
	v15 =	vld.idx.msk [tilespmem:v22+s13+$0x0], $0xffff;
	v22 =	vshll.u32 v24, $0x7  }
0x119: {  	_ =	sdelay $0x3  }
0x11a: {  	v14 =	vld.idx.msk [tilespmem:v14+s13+$0x0], $0xffff  }
0x11b: {  	v21 =	vld.idx.msk [tilespmem:v21+s13+$0x0], $0xffff  }
0x11c: {  	v19 =	vld.idx.msk [tilespmem:v19+s13+$0x0], $0xffff;
	[tilespmem:v12+s22+$0x0] =	vst.idx.msk $0xffff, v16  }
0x11d: {  	v10 =	vshll.u32 v10, $0x7;
	v63 =	vor.u32 v6, v22;
	v11 =	vld.idx.msk [tilespmem:v11+s13+$0x0], $0xffff;
	s3 =	sshll.u32 s6, $0xE;
	s5 =	sand.u32 $0x1FF, s6;
	[tilespmem:v20+s22+$0x0] =	vst.idx.msk $0xffff, v18  }
0x11e: {  	v9 =	vld.idx.msk [tilespmem:v9+s13+$0x0], $0xffff;
	v6 =	vor.u32 v6, v10;
	s3 =	sand.u32 $0x7F800000, s3;
	s6 =	sshrl.u32 s5, $0x5;
	s5 =	sshll.u32 s5, $0xA;
	[tilespmem:v17+s22+$0x0] =	vst.idx.msk $0xffff, v15  }
0x11f: {  	s7 =	sshll.u32 s6, $0x13;
	s3 =	sor.u32 s3, s5;
	[tilespmem:v13+s22+$0x0] =	vst.idx.msk $0xffff, v14  }
.Ltmp10:
0x120: {  	s28 =	sshll.u32 s6, $0xF;
	s3 =	sor.u32 s7, s3;
	[tilespmem:v8+s22+$0x0] =	vst.idx.msk $0xffff, v21;
	(pc) =	sbr.rel @p1 .LBB2_22-.Ltmp10, $4  }
0x121: {  	s3 =	ssub.s32 s3, s28;
	[tilespmem:v7+s22+$0x0] =	vst.idx.msk $0xffff, v19  }
0x122: {  	[tilespmem:v63+s22+$0x0] =	vst.idx.msk $0xffff, v11;
	s3 =	sshrl.u32 s3, $0x3  }
0x123: {  	[tilespmem:v6+s22+$0x0] =	vst.idx.msk $0xffff, v9;
	s3 =	sadd.s32 s4, s3  }
0x124: {  	[hbm4b:s3+s18] =	stream.strided.scatter [tilespmem:s22], [sflag:$0x5], $0x4000, s19, s18, $0x38;
	[tilespmem:$0x19180] =	vst v63  }
.Ltmp11:
0x125: {  	(pc) =	sbr.rel .LBB2_25-.Ltmp11, $4  }
0x126: {  	_ = 	snop  }
0x127: {  	_ =	swait.ge [sflag:s23], $0x4000  }
0x128: {  	[sflag:s23] =	ssyncset.done $0x0  }
0x129: {  	[sflag:s23] =	ssyncadd.s32 $0xFFFFC000  }
.LBB2_22:
0x12a: {  	s0 =	sadd.s32 $0x4, s0  }
0x12b: {  	s3 =	sand.u32 $0x1FF, s0  }
0x12c: {  	s5 =	sshrl.u32 s3, $0x5  }
0x12d: {  	s3 =	sshll.u32 s3, $0x7;
	s6 =	sshll.u32 s5, $0x3;
	s5 =	sshll.u32 s5, $0xC  }
0x12e: {  	s3 =	ssub.s32 s3, s5  }
0x12f: {  	v7 =	vmov s3  }
0x130: {  	s0 =	sshll.u32 s0, $0x7  }
0x131: {  	s0 =	sand.u32 $0x7FFF0000, s0  }
0x132: {  	s0 =	sor.u32 s0, s6  }
0x133: {  	p1 =	por $0x1, $0x1;
	v6 =	vmov s0;
	s0 =	simm.s32 $0x0  }
.LBB2_23:
0x134: {  	v8 =	vld.idx.msk [tilespmem:v7+s0+$0x0 ss:$0x1], $0xffff  }
0x135: {  	v9 =	vld.idx.msk [tilespmem:v7+s0+$0x10 ss:$0x1], $0xffff  }
0x136: {  	v10 =	vld.idx.msk [tilespmem:v7+s0+$0x20 ss:$0x1], $0xffff  }
0x137: {  	v11 =	vld.idx.msk [tilespmem:v7+s0+$0x30 ss:$0x1], $0xffff  }
0x138: {  	p2 =	por p1, p1  }
.Ltmp12:
0x139: {  	v8 =	vadd.s32 v6, v8;
	(pc) =	sbr.rel @p2 .LBB2_23-.Ltmp12, $4  }
0x13a: {  	[tilespmem:s0+$0x1080] =	vst v8;
	v8 =	vadd.s32 v6, v9  }
0x13b: {  	[tilespmem:s0+$0x1090] =	vst v8;
	v8 =	vadd.s32 v6, v10  }
0x13c: {  	[tilespmem:s0+$0x10A0] =	vst v8;
	v8 =	vadd.s32 v6, v11  }
0x13d: {  	p1 =	por $0x0, $0x0;
	[tilespmem:s0+$0x10B0] =	vst v8;
	s0 =	simm.s32 $0x40  }
.Ltmp13:
0x13e: {  	s0 =	simm.s32 $0x1080;
	(pc) =	sbr.rel @p0 .LBB2_26-.Ltmp13, $4  }
0x13f: {  	[tilespmem:s13], [sflag:$0x2] =	stream.indirect.gather [hbm4b:s1+s9], $0x80, s0, s9, $0xb8;
	[tilespmem:$0x19180] =	vst v63  }
0x140: {  	_ =	swait.ge [sflag:s23], $0x4000  }
0x141: {  	[sflag:s23] =	ssyncset.done $0x0  }
0x142: {  	[sflag:s23] =	ssyncadd.s32 $0xFFFFC000  }
.LBB2_25:
0x143: {  	_ =	swait.ge [sflag:s24], $0x4000  }
0x144: {  	[sflag:s24] =	ssyncset.done $0x0  }
0x145: {  	[sflag:s24] =	ssyncadd.s32 $0xFFFFC000  }
.LBB2_26:
0x146: {  	s0 =	simm.s32 $0x0;
	s3 =	simm.s32 $0x1;
	s5 =	simm.s32 $0x2  }
0x147: {  	s10 =	simm.s32 $0x6;
	s12 =	simm.s32 $0x3;
	s28 =	simm.s32 $0xFFFFFFF7;
	v6 =	vadd.s32 s3, v4;
	v7 =	vadd.s32 s5, v4  }
0x148: {  	s6 =	sand.u32 $0x8, s0;
	v9 =	vadd.s32 s10, v4;
	v10 =	vadd.s32 s12, v4;
	v16 =	vadd.s32 s28, v4  }
0x149: {  	s8 =	simm.s32 $0x0;
	s7 =	sand.u32 $0x70, s0;
	v8 =	vadd.s32 s6, v4;
	v6 =	vand.u32 $0xF, v6;
	v7 =	vand.u32 $0xF, v7  }
0x14a: {  	s3 =	sand.u32 $0x70, s8;
	v9 =	vand.u32 $0xF, v9;
	v8 =	vand.u32 $0xF, v8;
	v13 =	vor.u32 s7, v6  }
0x14b: {  	s14 =	simm.s32 $0x5;
	v6 =	vor.u32 s3, v4;
	v22 =	vor.u32 s7, v9;
	v15 =	vor.u32 s7, v7  }
0x14c: {  	s26 =	simm.s32 $0x4;
	v7 =	vand.u32 $0xF, v10;
	v9 =	vadd.s32 s14, v4;
	v8 =	vor.u32 s7, v8  }
0x14d: {  	v10 =	vor.u32 s7, v7;
	v7 =	vadd.s32 s26, v4;
	v17 =	vshll.u32 v6, $0x7  }
0x14e: {  	v9 =	vand.u32 $0xF, v9;
	v25 =	vshll.u32 v15, $0x7;
	v12 =	vshll.u32 v8, $0x7  }
0x14f: {  	v7 =	vand.u32 $0xF, v7;
	v18 =	vor.u32 v8, v17;
	v14 =	vor.u32 v17, v15  }
0x150: {  	v20 =	vor.u32 s7, v9;
	v23 =	vor.u32 v17, v13;
	v8 =	vor.u32 v17, v10  }
0x151: {  	v11 =	vor.u32 v17, v22;
	v9 =	vand.u32 $0xF, v16;
	v24 =	vor.u32 v17, v20  }
0x152: {  	v13 =	vshll.u32 v13, $0x7;
	v22 =	vshll.u32 v22, $0x7;
	v7 =	vor.u32 s7, v7  }
0x153: {  	v12 =	vor.u32 v6, v12;
	v9 =	vor.u32 s7, v9;
	v20 =	vshll.u32 v20, $0x7  }
0x154: {  	v21 =	vor.u32 v17, v7;
	v7 =	vshll.u32 v7, $0x7;
	v19 =	vor.u32 v17, v9;
	v16 =	vld.idx.msk [tilespmem:v18+s15+$0x0], $0xffff  }
0x155: {  	v17 =	vshll.u32 v9, $0x7;
	v20 =	vor.u32 v6, v20;
	v9 =	vor.u32 v6, v7;
	v15 =	vld.idx.msk [tilespmem:v23+s15+$0x0], $0xffff  }
0x156: {  	s3 =	simm.s32 $0x1;
	v7 =	vor.u32 v6, v17;
	v17 =	vor.u32 v6, v13;
	v13 =	vor.u32 v6, v25;
	v18 =	vld.idx.msk [tilespmem:v24+s15+$0x0], $0xffff  }
.LBB2_27:
0x157: {  	s5 =	sadd.s32 $0x9, s0  }
0x158: {  	s6 =	sadd.s32 $0xA, s0;
	v14 =	vld.idx.msk [tilespmem:v14+s15+$0x0], $0xffff;
	v10 =	vshll.u32 v10, $0x7;
	v22 =	vor.u32 v6, v22;
	s7 =	smov.u32 s0;
	s0 =	sadd.s32 $0x8, s0  }
0x159: {  	s8 =	sand.u32 $0x8, s0;
	v23 =	vadd.s32 s5, v4;
	v24 =	vadd.s32 s6, v4;
	s5 =	sadd.s32 $0xB, s7;
	s6 =	sadd.s32 $0xE, s7;
	v25 =	vor.u32 v6, v10;
	v21 =	vld.idx.msk [tilespmem:v21+s15+$0x0], $0xffff  }
0x15a: {  	s10 =	sand.u32 $0x70, s0;
	s12 =	sadd.s32 $0xD, s7;
	v6 =	vadd.s32 s8, v4;
	v10 =	vand.u32 $0xF, v23;
	v23 =	vand.u32 $0xF, v24;
	s8 =	sadd.s32 $0xC, s7;
	v19 =	vld.idx.msk [tilespmem:v19+s15+$0x0], $0xffff  }
0x15b: {  	s14 =	sand.u32 $0x70, s3;
	p0 =	slt.u32 s0, $0x3F8;
	v24 =	vand.u32 $0xF, v6;
	v26 =	vor.u32 s10, v10;
	v10 =	vadd.s32 s6, v4;
	s6 =	sadd.s32 $0xFFFFFFFF, s7;
	[tilespmem:v12+s25+$0x0] =	vst.idx.msk $0xffff, v16;
	v11 =	vld.idx.msk [tilespmem:v11+s15+$0x0], $0xffff  }
0x15c: {  	v6 =	vor.u32 s14, v4;
	v12 =	vor.u32 s10, v24;
	v10 =	vand.u32 $0xF, v10;
	v8 =	vld.idx.msk [tilespmem:v8+s15+$0x0], $0xffff;
	[tilespmem:v20+s25+$0x0] =	vst.idx.msk $0xffff, v18  }
0x15d: {  	v18 =	vadd.s32 s5, v4;
	v16 =	vshll.u32 v12, $0x7;
	v24 =	vor.u32 s10, v10;
	[tilespmem:v17+s25+$0x0] =	vst.idx.msk $0xffff, v15  }
0x15e: {  	v15 =	vor.u32 s10, v23;
	v10 =	vand.u32 $0xF, v18;
	v17 =	vadd.s32 s12, v4;
	[tilespmem:v13+s25+$0x0] =	vst.idx.msk $0xffff, v14  }
0x15f: {  	v18 =	vadd.s32 s6, v4;
	v10 =	vor.u32 s10, v10;
	v13 =	vadd.s32 s8, v4;
	[tilespmem:v9+s25+$0x0] =	vst.idx.msk $0xffff, v21  }
0x160: {  	v17 =	vand.u32 $0xF, v17;
	v9 =	vshll.u32 v6, $0x7;
	v13 =	vand.u32 $0xF, v13;
	[tilespmem:v7+s25+$0x0] =	vst.idx.msk $0xffff, v19  }
0x161: {  	v17 =	vor.u32 s10, v17;
	v7 =	vor.u32 v12, v9;
	v14 =	vor.u32 v9, v15;
	[tilespmem:v22+s25+$0x0] =	vst.idx.msk $0xffff, v11  }
0x162: {  	v13 =	vor.u32 s10, v13;
	v20 =	vor.u32 v9, v17;
	v22 =	vor.u32 v9, v26;
	[tilespmem:v25+s25+$0x0] =	vst.idx.msk $0xffff, v8  }
0x163: {  	v18 =	vand.u32 $0xF, v18;
	v11 =	vor.u32 v9, v24;
	v8 =	vor.u32 v9, v10  }
.Ltmp14:
0x164: {  	v12 =	vor.u32 v6, v16;
	v16 =	vor.u32 s10, v18;
	v21 =	vor.u32 v9, v13;
	(pc) =	sbr.rel @p0 .LBB2_27-.Ltmp14, $4  }
0x165: {  	v13 =	vshll.u32 v13, $0x7;
	v19 =	vor.u32 v9, v16;
	v18 =	vshll.u32 v16, $0x7  }
0x166: {  	v9 =	vor.u32 v6, v13;
	v13 =	vshll.u32 v17, $0x7;
	v16 =	vld.idx.msk [tilespmem:v7+s15+$0x0], $0xffff;
	v7 =	vor.u32 v6, v18  }
0x167: {  	v23 =	vshll.u32 v15, $0x7;
	v17 =	vshll.u32 v26, $0x7;
	v18 =	vld.idx.msk [tilespmem:v20+s15+$0x0], $0xffff;
	v20 =	vor.u32 v6, v13  }
0x168: {  	s3 =	sadd.s32 $0x1, s3;
	v17 =	vor.u32 v6, v17;
	v13 =	vor.u32 v6, v23;
	v15 =	vld.idx.msk [tilespmem:v22+s15+$0x0], $0xffff;
	v22 =	vshll.u32 v24, $0x7  }
0x169: {  	_ =	sdelay $0x3  }
0x16a: {  	v14 =	vld.idx.msk [tilespmem:v14+s15+$0x0], $0xffff  }
0x16b: {  	v21 =	vld.idx.msk [tilespmem:v21+s15+$0x0], $0xffff  }
0x16c: {  	v19 =	vld.idx.msk [tilespmem:v19+s15+$0x0], $0xffff;
	[tilespmem:v12+s25+$0x0] =	vst.idx.msk $0xffff, v16  }
0x16d: {  	v10 =	vshll.u32 v10, $0x7;
	v63 =	vor.u32 v6, v22;
	v11 =	vld.idx.msk [tilespmem:v11+s15+$0x0], $0xffff;
	s0 =	sshll.u32 s2, $0xE;
	[tilespmem:v20+s25+$0x0] =	vst.idx.msk $0xffff, v18  }
0x16e: {  	v8 =	vld.idx.msk [tilespmem:v8+s15+$0x0], $0xffff;
	s28 =	sshll.u32 s31, $0xA;
	s29 =	sadd.s32 $0x1, s29;
	v6 =	vor.u32 v6, v10;
	s0 =	sand.u32 $0x7F800000, s0;
	[tilespmem:v17+s25+$0x0] =	vst.idx.msk $0xffff, v15  }
0x16f: {  	s3 =	sshll.u32 s30, $0x13;
	p0 =	sne.s32 s29, $0x10;
	s0 =	sor.u32 s0, s28;
	[tilespmem:v13+s25+$0x0] =	vst.idx.msk $0xffff, v14  }
.Ltmp15:
0x170: {  	s31 =	sshll.u32 s30, $0xF;
	s0 =	sor.u32 s3, s0;
	[tilespmem:v9+s25+$0x0] =	vst.idx.msk $0xffff, v21;
	(pc) =	sbr.rel @p0 .LBB2_8-.Ltmp15, $4  }
0x171: {  	s0 =	ssub.s32 s0, s31;
	[tilespmem:v7+s25+$0x0] =	vst.idx.msk $0xffff, v19  }
0x172: {  	[tilespmem:v63+s25+$0x0] =	vst.idx.msk $0xffff, v11;
	s0 =	sshrl.u32 s0, $0x3  }
0x173: {  	[tilespmem:v6+s25+$0x0] =	vst.idx.msk $0xffff, v8;
	s0 =	sadd.s32 s4, s0  }
0x174: {  	[hbm4b:s0+s18] =	stream.strided.scatter [tilespmem:s25], [sflag:$0x6], $0x4000, s19, s18, $0x38;
	[tilespmem:$0x19180] =	vst v63  }
0x175: {  	s0 =	simm.s32 $0x4  }
0x176: {  	_ =	swait.ge [sflag:s0], $0x4000  }
0x177: {  	[sflag:s0] =	ssyncset.done $0x0  }
0x178: {  	[sflag:s0] =	ssyncadd.s32 $0xFFFFC000  }
0x179: {  	_ =	swait.ge [sflag:s21], $0x4000  }
0x17a: {  	[sflag:s21] =	ssyncset.done $0x0  }
0x17b: {  	[sflag:s21] =	ssyncadd.s32 $0xFFFFC000  }
0x17c: {  	_ =	swait.ge [sflag:s24], $0x4000  }
0x17d: {  	s2 =	rddreg [dreg:$0x6]  }
0x17e: {  	s31 =	rddreg [dreg:$0x5];
	s2 =	sadd.s32 $0x1, s2  }
0x17f: {  	p0 =	sne.s32 s2, s31  }
.Ltmp16:
0x180: {  	_ = 	snop;
	(pc) =	sbr.rel @p0 .LBB2_1-.Ltmp16, $3  }
0x181: {  	_ =	sdelay $0x1  }
0x182: {  	[sflag:s24] =	ssyncset.done $0x0  }
0x183: {  	[sflag:s24] =	ssyncadd.s32 $0xFFFFC000  }
0x184: {  	_ =	sfence.sel $0x180000  }
0x185: {  	[bflag:$0x0] =	sbarrier.arrive $0xFFFF  }
0x186: {  	_ =	strace $0x90000047  }
0x187: {  	s0 =	stileid.u32;
	[bflag:$0x2] =	sbarrier.arrive $0xFFFF  }
0x188: {  	p0 =	sne.s32 s0, $0x0;
	s0 =	rddreg [dreg:$0x3]  }
0x189: {  	s0 =	sadd.s32 @!p0 $0x100000, s0  }
0x18a: {  	[sflag:s0] =	ssyncadd.tile.s32 @!p0 $0x1;
	_ =	shalt  }
.Lfunc_end2:
_tile_overlayer_lowered:
.L_overlay_start_2:
0x18b: {  	(tag) =	ssettag $0x2  }
0x18c: {  	s0 =	rddreg [dreg:$0x0];
	s2 =	stileid.u32  }
0x18d: {  	s1 =	rddreg [dreg:$0x1];
	p0 =	sne.s32 s2, $0x0  }
0x18e: {  	s3 =	rddreg [dreg:$0x2];
	[bflag:$0x3] =	sbarrier.arrive $0xFFFF;
	s2 =	simm.s32 @!p0 $0x1C07  }
0x18f: {  	[timem:s3], [sflag:s2] =	dma.local @!p0 [hbm:s0], s1  }
0x190: {  	s0 =	simm.s32 @!p0 $0x7  }
0x191: {  	_ =	swait.ge @!p0 [sflag:s0], s1  }
0x192: {  	s1 =	ssub.s32 @!p0 $0x0, s1;
	[sflag:s0] =	ssyncset.done @!p0 $0x0  }
0x193: {  	[sflag:s0] =	ssyncadd.s32 @!p0 s1  }
0x194: {  	[bflag:$0x3] =	sbarrier.arrive $0xFFFF  }
0x195: {  	_ =	shalt  }

</sc_bundles>
